<compile_context>
chip_gen: v7x
topology: tpu7x:2x2x1
jax: 0.10.2.dev20260603
libtpu: 0.0.44.dev20260713+nightly
codegen_flags: <defaults>
</compile_context>

<pallas_src>
import functools

import jax
import jax.numpy as jnp
from jax import lax
from jax.experimental import pallas as pl
from jax.experimental.pallas import tpu as pltpu
from jax.experimental.pallas import tpu_sc as plsc

_B, _N, _CF = 8, 4096, 64
_S = 1024
_K = 32
_R2 = 0.5 ** 2
_M = _B * _S * _K
_CPAD = 128
_TILE_M = 1024
_STILE = 256


def _fps_body(x_ref, y_ref, z_ref, newc_ref):
    x = x_ref[...]
    y = y_ref[...]
    z = z_ref[...]
    col = lax.broadcasted_iota(jnp.int32, (_B, _N), 1)

    def body(i, state):
        distance, farthest = state
        onehot = col == farthest
        cx = jnp.sum(jnp.where(onehot, x, 0.0), axis=1, keepdims=True)
        cy = jnp.sum(jnp.where(onehot, y, 0.0), axis=1, keepdims=True)
        cz = jnp.sum(jnp.where(onehot, z, 0.0), axis=1, keepdims=True)
        newc_ref[pl.ds(i, 1), :, :] = jnp.concatenate([cx, cy, cz], axis=1)[None]
        dx = x - cx
        dy = y - cy
        dz = z - cz
        d = (dx * dx + dy * dy) + dz * dz
        distance = jnp.minimum(distance, d)
        mx = jnp.max(distance, axis=1, keepdims=True)
        farthest = jnp.min(jnp.where(distance == mx, col, _N), axis=1,
                           keepdims=True)
        return distance, farthest

    dist0 = jnp.full((_B, _N), 1e10, dtype=jnp.float32)
    far0 = jnp.zeros((_B, 1), dtype=jnp.int32)
    lax.fori_loop(0, _S, body, (dist0, far0))


def _fps(x, y, z, interpret=False):
    return pl.pallas_call(
        _fps_body,
        out_shape=jax.ShapeDtypeStruct((_S, _B, 3), jnp.float32),
        interpret=interpret,
    )(x, y, z)


def _ballq_body(x_ref, y_ref, z_ref, q_ref, idx_ref):
    x = x_ref[0]
    y = y_ref[0]
    z = z_ref[0]
    q = q_ref[...]
    qx = q[:, 0:1]
    qy = q[:, 1:2]
    qz = q[:, 2:3]
    def _bf(v):
        return v.astype(jnp.bfloat16).astype(jnp.float32)
    inner = _bf(qx) * _bf(x) + _bf(qy) * _bf(y) + _bf(qz) * _bf(z)
    pn = x * x + y * y + z * z
    qn = qx * qx + qy * qy + qz * qz
    d2 = -2.0 * inner
    d2 = d2 + qn
    d2 = d2 + pn
    col = lax.broadcasted_iota(jnp.int32, (_STILE, _N), 1)
    cand = jnp.where(d2 > _R2, _N, col)
    cols = []
    for _ in range(_K):
        m = jnp.min(cand, axis=1, keepdims=True)
        cols.append(m)
        cand = jnp.where(cand == m, _N, cand)
    idx = jnp.concatenate(cols, axis=1)
    idx = jnp.where(idx == _N, cols[0], idx)
    idx_ref[...] = idx[None]


def _ballq(x, y, z, nxf, interpret=False):
    grid = (_B, _S // _STILE)
    return pl.pallas_call(
        _ballq_body,
        grid=grid,
        in_specs=[
            pl.BlockSpec((1, 1, _N), lambda b, j: (b, 0, 0)),
            pl.BlockSpec((1, 1, _N), lambda b, j: (b, 0, 0)),
            pl.BlockSpec((1, 1, _N), lambda b, j: (b, 0, 0)),
            pl.BlockSpec((_STILE, 3),
                         lambda b, j: (b * (_S // _STILE) + j, 0)),
        ],
        out_specs=pl.BlockSpec((1, _STILE, _K), lambda b, j: (b, j, 0)),
        out_shape=jax.ShapeDtypeStruct((_B, _S, _K), jnp.int32),
        interpret=interpret,
    )(x, y, z, nxf)


_CHUNK = 128


def _group_gather(table, flat_idx):
    info = plsc.get_sparse_core_info()
    nc, ns = info.num_cores, info.num_subcores
    nw = nc * ns
    rows_per_w = _M // nw
    mesh = plsc.VectorSubcoreMesh(core_axis_name="c", subcore_axis_name="s")

    burst = 4
    rows_per_burst = burst * _CHUNK
    n_bursts = rows_per_w // rows_per_burst

    @functools.partial(
        pl.kernel,
        mesh=mesh,
        out_type=jax.ShapeDtypeStruct((_M, _CPAD), jnp.float32),
        scratch_types=[
            pltpu.VMEM((rows_per_w,), jnp.int32),
            pltpu.VMEM((rows_per_burst, _CPAD), jnp.float32),
            pltpu.SemaphoreType.DMA,
        ],
    )
    def k(table_hbm, idx_hbm, out_hbm, idx_v, rows_v, sem):
        wid = lax.axis_index("s") * nc + lax.axis_index("c")
        w_base = wid * rows_per_w
        pltpu.sync_copy(idx_hbm.at[pl.ds(w_base, rows_per_w)], idx_v)

        def body(o, carry):
            handles = []
            for j in range(burst):
                off = o * rows_per_burst + j * _CHUNK
                handles.append(pltpu.async_copy(
                    table_hbm.at[idx_v.at[pl.ds(off, _CHUNK)]],
                    rows_v.at[pl.ds(j * _CHUNK, _CHUNK)], sem))
            for h in handles:
                h.wait()
            pltpu.sync_copy(
                rows_v, out_hbm.at[pl.ds(w_base + o * rows_per_burst,
                                         rows_per_burst)])
            return carry

        lax.fori_loop(0, n_bursts, body, 0)

    return k(table, flat_idx)


def _k0_body(g_ref, nx_ref, w0p_ref, wxyz_ref, b0_ref, a1_ref, st_ref):
    i = pl.program_id(0)
    g = g_ref[...]
    nx = nx_ref[...]
    bias = jnp.dot(nx, wxyz_ref[...], preferred_element_type=jnp.float32)
    biasf = jnp.broadcast_to(bias[:, None, :], (_TILE_M // _K, _K, 64))
    biasf = biasf.reshape(_TILE_M, 64)
    y = jnp.dot(g, w0p_ref[...], preferred_element_type=jnp.float32)
    y = y + b0_ref[...] - biasf
    a1_ref[...] = y

    @pl.when(i == 0)
    def _():
        st_ref[...] = jnp.zeros_like(st_ref)

    s = jnp.sum(y, axis=0, keepdims=True)
    ss = jnp.sum(y * y, axis=0, keepdims=True)
    st_ref[0:2, :] = st_ref[0:2, :] + jnp.concatenate([s, ss], axis=0)


def _k0(g, nxf, w0p, wxyz, b0r, interpret=False):
    grid = (_M // _TILE_M,)
    return pl.pallas_call(
        _k0_body,
        grid=grid,
        in_specs=[
            pl.BlockSpec((_TILE_M, _CPAD), lambda i: (i, 0)),
            pl.BlockSpec((_TILE_M // _K, 3), lambda i: (i, 0)),
            pl.BlockSpec((_CPAD, 64), lambda i: (0, 0)),
            pl.BlockSpec((3, 64), lambda i: (0, 0)),
            pl.BlockSpec((1, 64), lambda i: (0, 0)),
        ],
        out_specs=[
            pl.BlockSpec((_TILE_M, 64), lambda i: (i, 0)),
            pl.BlockSpec((8, 64), lambda i: (0, 0)),
        ],
        out_shape=[
            jax.ShapeDtypeStruct((_M, 64), jnp.float32),
            jax.ShapeDtypeStruct((8, 64), jnp.float32),
        ],
        interpret=interpret,
    )(g, nxf, w0p, wxyz, b0r)


def _bn_scale_shift(st_ref, g_r, beta_r):
    mean = st_ref[0:1, :] * (1.0 / _M)
    ex2 = st_ref[1:2, :] * (1.0 / _M)
    var = ex2 - mean * mean
    scale = g_r * lax.rsqrt(var + 1e-5)
    shift = beta_r - mean * scale
    return scale, shift


def _gram_scale_shift(gram, cs_row, w_t, b_r, g_r, beta_r):
    inner_cs = jnp.dot(cs_row, w_t, preferred_element_type=jnp.float32)
    t = jnp.dot(gram, w_t, preferred_element_type=jnp.float32)
    diag = jnp.sum(w_t * t, axis=0, keepdims=True)
    ssum = inner_cs + _M * b_r
    ssq = diag + 2.0 * b_r * inner_cs + _M * b_r * b_r
    mean = ssum * (1.0 / _M)
    var = ssq * (1.0 / _M) - mean * mean
    scale = g_r * lax.rsqrt(var + 1e-5)
    shift = beta_r - mean * scale
    return scale, shift


def _accum_gram(i, x, gram_ref, cs_ref):
    @pl.when(i == 0)
    def _():
        gram_ref[...] = jnp.zeros_like(gram_ref)
        cs_ref[...] = jnp.zeros_like(cs_ref)

    g = lax.dot_general(x, x, (((0,), (0,)), ((), ())),
                        preferred_element_type=jnp.float32)
    gram_ref[...] = gram_ref[...] + g
    cs_ref[0:1, :] = cs_ref[0:1, :] + jnp.sum(x, axis=0, keepdims=True)


def _kx1_body(a_ref, st_ref, g_ref, beta_ref, x_ref, gram_ref, cs_ref):
    i = pl.program_id(0)
    scale, shift = _bn_scale_shift(st_ref, g_ref[...], beta_ref[...])
    x = jnp.maximum(a_ref[...] * scale + shift, 0.0)
    x_ref[...] = x
    _accum_gram(i, x, gram_ref, cs_ref)


def _kx1(a, st, g_r, beta_r, interpret=False):
    grid = (_M // _TILE_M,)
    return pl.pallas_call(
        _kx1_body,
        grid=grid,
        in_specs=[
            pl.BlockSpec((_TILE_M, 64), lambda i: (i, 0)),
            pl.BlockSpec((8, 64), lambda i: (0, 0)),
            pl.BlockSpec((1, 64), lambda i: (0, 0)),
            pl.BlockSpec((1, 64), lambda i: (0, 0)),
        ],
        out_specs=[
            pl.BlockSpec((_TILE_M, 64), lambda i: (i, 0)),
            pl.BlockSpec((64, 64), lambda i: (0, 0)),
            pl.BlockSpec((8, 64), lambda i: (0, 0)),
        ],
        out_shape=[
            jax.ShapeDtypeStruct((_M, 64), jnp.float32),
            jax.ShapeDtypeStruct((64, 64), jnp.float32),
            jax.ShapeDtypeStruct((8, 64), jnp.float32),
        ],
        interpret=interpret,
    )(a, st, g_r, beta_r)


def _kx2_body(x_ref, gram_ref, cs_ref, g_ref, beta_ref, w_ref, b_ref,
              x2_ref, gram2_ref, cs2_ref):
    i = pl.program_id(0)
    w_t = w_ref[...]
    b_r = b_ref[...]
    scale, shift = _gram_scale_shift(gram_ref[...], cs_ref[0:1, :], w_t, b_r,
                                     g_ref[...], beta_ref[...])
    y = jnp.dot(x_ref[...], w_t, preferred_element_type=jnp.float32) + b_r
    x2 = jnp.maximum(y * scale + shift, 0.0)
    x2_ref[...] = x2
    _accum_gram(i, x2, gram2_ref, cs2_ref)


def _kx2(x1, gram1, cs1, g_r, beta_r, w_t, b_r, cin, cout, interpret=False):
    grid = (_M // _TILE_M,)
    return pl.pallas_call(
        _kx2_body,
        grid=grid,
        in_specs=[
            pl.BlockSpec((_TILE_M, cin), lambda i: (i, 0)),
            pl.BlockSpec((cin, cin), lambda i: (0, 0)),
            pl.BlockSpec((8, cin), lambda i: (0, 0)),
            pl.BlockSpec((1, cout), lambda i: (0, 0)),
            pl.BlockSpec((1, cout), lambda i: (0, 0)),
            pl.BlockSpec((cin, cout), lambda i: (0, 0)),
            pl.BlockSpec((1, cout), lambda i: (0, 0)),
        ],
        out_specs=[
            pl.BlockSpec((_TILE_M, cout), lambda i: (i, 0)),
            pl.BlockSpec((cout, cout), lambda i: (0, 0)),
            pl.BlockSpec((8, cout), lambda i: (0, 0)),
        ],
        out_shape=[
            jax.ShapeDtypeStruct((_M, cout), jnp.float32),
            jax.ShapeDtypeStruct((cout, cout), jnp.float32),
            jax.ShapeDtypeStruct((8, cout), jnp.float32),
        ],
        interpret=interpret,
    )(x1, gram1, cs1, g_r, beta_r, w_t, b_r)


def _kx3_body(x_ref, gram_ref, cs_ref, g_ref, beta_ref, w_ref, b_ref,
              out_ref):
    w_t = w_ref[...]
    b_r = b_ref[...]
    scale, shift = _gram_scale_shift(gram_ref[...], cs_ref[0:1, :], w_t, b_r,
                                     g_ref[...], beta_ref[...])
    y = jnp.dot(x_ref[...], w_t, preferred_element_type=jnp.float32) + b_r
    x3 = jnp.maximum(y * scale + shift, 0.0)
    x3 = x3.reshape(_TILE_M // _K, _K, 256)
    out_ref[...] = jnp.max(x3, axis=1)


def _kx3(x2, gram2, cs2, g_r, beta_r, w_t, b_r, interpret=False):
    grid = (_M // _TILE_M,)
    return pl.pallas_call(
        _kx3_body,
        grid=grid,
        in_specs=[
            pl.BlockSpec((_TILE_M, 128), lambda i: (i, 0)),
            pl.BlockSpec((128, 128), lambda i: (0, 0)),
            pl.BlockSpec((8, 128), lambda i: (0, 0)),
            pl.BlockSpec((1, 256), lambda i: (0, 0)),
            pl.BlockSpec((1, 256), lambda i: (0, 0)),
            pl.BlockSpec((128, 256), lambda i: (0, 0)),
            pl.BlockSpec((1, 256), lambda i: (0, 0)),
        ],
        out_specs=pl.BlockSpec((_TILE_M // _K, 256), lambda i: (i, 0)),
        out_shape=jax.ShapeDtypeStruct((_B * _S, 256), jnp.float32),
        interpret=interpret,
    )(x2, gram2, cs2, g_r, beta_r, w_t, b_r)


@jax.jit
def kernel(xyz, points, conv_w0, conv_b0, bn_g0, bn_b0, conv_w1, conv_b1,
           bn_g1, bn_b1, conv_w2, conv_b2, bn_g2, bn_b2):
    x = xyz[:, :, 0]
    y = xyz[:, :, 1]
    z = xyz[:, :, 2]

    newc = _fps(x, y, z)
    new_xyz = jnp.transpose(newc, (1, 0, 2))
    nxf = new_xyz.reshape(_B * _S, 3)

    idx = _ballq(x[:, None, :], y[:, None, :], z[:, None, :], nxf)
    flat_idx = (idx + (jnp.arange(_B, dtype=jnp.int32) * _N)[:, None, None])
    flat_idx = flat_idx.reshape(_M)

    table = jnp.concatenate([xyz, points], axis=-1).reshape(_B * _N, 67)
    table = jnp.pad(table, ((0, 0), (0, _CPAD - 67)))
    gathered = _group_gather(table, flat_idx)

    w0p = jnp.pad(conv_w0.T, ((0, _CPAD - 67), (0, 0)))
    wxyz = conv_w0[:, :3].T

    a1, st0 = _k0(gathered, nxf, w0p, wxyz, conv_b0[None, :])
    x1, gram1, cs1 = _kx1(a1, st0, bn_g0[None, :], bn_b0[None, :])
    x2, gram2, cs2 = _kx2(x1, gram1, cs1, bn_g1[None, :], bn_b1[None, :],
                          conv_w1.T, conv_b1[None, :], 64, 128)
    out = _kx3(x2, gram2, cs2, bn_g2[None, :], bn_b2[None, :],
               conv_w2.T, conv_b2[None, :])

    return new_xyz, out.reshape(_B, _S, 256)

# --- scband reference (transcript-rebuilt; emitter-appended) ---
"""Pipeline reference for scband-set-abstraction-40226663694448 (READ-ONLY COPY).

The authoritative reference and input builder live on the scoring server;
editing this copy changes nothing except your own understanding.
"""

import jax, jax.numpy as jnp
import numpy as np

NPOINT = 1024
RADIUS = 0.5
NSAMPLE = 32
MLP = [64, 128, 256]
IN_CH = 67
B, N, CFEAT = 8, 4096, 64


def square_distance(src, dst):
    d = -2.0 * jnp.matmul(src, jnp.swapaxes(dst, 1, 2))
    d = d + jnp.sum(src ** 2, axis=-1)[:, :, None]
    d = d + jnp.sum(dst ** 2, axis=-1)[:, None, :]
    return d


def index_points(points, idx):
    return jax.vmap(lambda p, i: p[i])(points, idx)


def farthest_point_sample(xyz, npoint):
    b, n, _ = xyz.shape

    def body(i, state):
        distance, farthest, centroids = state
        centroids = centroids.at[:, i].set(farthest)
        centroid = xyz[jnp.arange(b), farthest, :][:, None, :]
        dist = jnp.sum((xyz - centroid) ** 2, axis=-1)
        distance = jnp.minimum(distance, dist)
        farthest = jnp.argmax(distance, axis=-1).astype(jnp.int32)
        return (distance, farthest, centroids)

    distance = jnp.full((b, n), 1e10, dtype=xyz.dtype)
    farthest = jnp.zeros((b,), dtype=jnp.int32)
    centroids = jnp.zeros((b, npoint), dtype=jnp.int32)
    _, _, centroids = jax.lax.fori_loop(0, npoint, body, (distance, farthest, centroids))
    return centroids


def query_ball_point(radius, nsample, xyz, new_xyz):
    b, n, _ = xyz.shape
    s = new_xyz.shape[1]
    sqrdists = square_distance(new_xyz, xyz)
    group_idx = jnp.broadcast_to(jnp.arange(n, dtype=jnp.int32)[None, None, :], (b, s, n))
    group_idx = jnp.where(sqrdists > radius ** 2, n, group_idx)
    group_idx = jnp.sort(group_idx, axis=-1)[:, :, :nsample]
    group_first = jnp.broadcast_to(group_idx[:, :, :1], (b, s, nsample))
    group_idx = jnp.where(group_idx == n, group_first, group_idx)
    return group_idx


def setup_inputs(seed: int = 0):
    key = jax.random.key(seed)
    ks = jax.random.split(key, 8)
    inp = {}
    inp["xyz"] = jax.random.normal(ks[0], (B, N, 3), dtype=jnp.float32)
    inp["points"] = jax.random.normal(ks[1], (B, N, CFEAT), dtype=jnp.float32)
    last = IN_CH
    for li, out in enumerate(MLP):
        inp["conv_w%d" % li] = jax.random.normal(ks[2 + li], (out, last), dtype=jnp.float32) * (1.0 / np.sqrt(last))
        inp["conv_b%d" % li] = jnp.zeros((out,), dtype=jnp.float32)
        inp["bn_g%d" % li] = jnp.ones((out,), dtype=jnp.float32)
        inp["bn_b%d" % li] = jnp.zeros((out,), dtype=jnp.float32)
        last = out
    return inp


def reference(xyz, points, conv_w0, conv_b0, bn_g0, bn_b0, conv_w1, conv_b1, bn_g1, bn_b1, conv_w2, conv_b2, bn_g2, bn_b2):
    layers = [(conv_w0, conv_b0, bn_g0, bn_b0), (conv_w1, conv_b1, bn_g1, bn_b1), (conv_w2, conv_b2, bn_g2, bn_b2)]
    xyz_sg = jax.lax.stop_gradient(xyz)
    fps_idx = farthest_point_sample(xyz_sg, NPOINT)
    new_xyz = index_points(xyz, fps_idx)
    idx = query_ball_point(RADIUS, NSAMPLE, xyz_sg, jax.lax.stop_gradient(new_xyz))
    grouped_xyz = index_points(xyz, idx) - new_xyz[:, :, None, :]
    grouped_points = index_points(points, idx)
    new_points = jnp.concatenate([grouped_xyz, grouped_points], axis=-1)
    x = jnp.transpose(new_points, (0, 3, 1, 2))
    for (w, b_, g, beta) in layers:
        x = jnp.einsum('oc,bcsk->bosk', w, x) + b_[None, :, None, None]
        mean = jnp.mean(x, axis=(0, 2, 3), keepdims=True)
        var = jnp.var(x, axis=(0, 2, 3), keepdims=True)
        x = (x - mean) / jnp.sqrt(var + 1e-5) * g[None, :, None, None] + beta[None, :, None, None]
        x = jax.nn.relu(x)
    new_points_out = jnp.transpose(jnp.max(x, axis=-1), (0, 2, 1))
    return (new_xyz, new_points_out)

if __name__ == "__main__":
    import jax
    _d = setup_inputs()
    print(jax.jit(kernel)(*tuple(_d.values())))

</pallas_src>

<mosaic_0001>
#map = affine_map<(d0, d1) -> (0, 0)>
#map1 = affine_map<(d0, d1) -> (0)>
module attributes {stable_mosaic.version = 14 : i64} {
  func.func @k(%arg0: i32, %arg1: i32, %arg2: memref<32768x128xf32, #tpu.memory_space<hbm>>, %arg3: memref<262144xi32, #tpu.memory_space<hbm>>, %arg4: memref<262144x128xf32, #tpu.memory_space<hbm>>, %arg5: memref<8192xi32, #tpu.memory_space<vmem>>, %arg6: memref<512x128xf32, #tpu.memory_space<vmem>>, %arg7: memref<!tpu.dma_semaphore, #tpu.memory_space<semaphore_mem>>) attributes {dimension_semantics = [#tpu.dimension_semantics<core_parallel>, #tpu.dimension_semantics<subcore_parallel>], iteration_bounds = array<i64: 2, 16>, scalar_prefetch = 0 : i64, scratch_operands = 3 : i64, tpu.core_type = #tpu.core_type<sc_vector_subcore>, window_params = [{transform_indices = #map}, {transform_indices = #map1}, {transform_indices = #map}]} {
    %mul3A = arith.constant 2 : i32
    %mul3A_0 = arith.muli %arg1, %mul3A : i32
    %add3A = arith.addi %mul3A_0, %arg0 : i32
    %mul3A_1 = arith.constant 8192 : i32
    %mul3A_2 = arith.muli %add3A, %mul3A_1 : i32
    "tpu.region"() ({
      %run_scoped3A = tpu.sem_alloc : memref<!tpu.dma_semaphore, #tpu.memory_space<semaphore_mem>>
      %dma_start3A = tpu.memref_slice %arg3[%mul3A_2] : memref<262144xi32, #tpu.memory_space<hbm>> -> memref<8192xi32, #tpu.memory_space<hbm>>
      %dma_start3A_8 = tpu.memref_slice %arg3[%mul3A_2] : memref<262144xi32, #tpu.memory_space<hbm>> -> memref<8192xi32, #tpu.memory_space<hbm>>
      tpu.enqueue_dma source(%dma_start3A_8 : memref<8192xi32, #tpu.memory_space<hbm>>) target(%arg5 : memref<8192xi32, #tpu.memory_space<vmem>>) target_semaphore(%run_scoped3A : memref<!tpu.dma_semaphore, #tpu.memory_space<semaphore_mem>>)
      %dma_wait3A = tpu.memref_slice %arg3[%mul3A_2] : memref<262144xi32, #tpu.memory_space<hbm>> -> memref<8192xi32, #tpu.memory_space<hbm>>
      %dma_wait3A_9 = tpu.memref_slice %arg3[%mul3A_2] : memref<262144xi32, #tpu.memory_space<hbm>> -> memref<8192xi32, #tpu.memory_space<hbm>>
      tpu.wait_dma2 semaphore(%run_scoped3A : memref<!tpu.dma_semaphore, #tpu.memory_space<semaphore_mem>>) src(%dma_wait3A_9 : memref<8192xi32, #tpu.memory_space<hbm>>) dst(%arg5 : memref<8192xi32, #tpu.memory_space<vmem>>)
      tpu.yield
    }) : () -> ()
    %scan3A = arith.constant 0 : i32
    %scan3A_3 = arith.constant 0 : i32
    %scan3A_4 = arith.constant 16 : i32
    %scan3A_5 = arith.addi %scan3A_3, %scan3A_4 : i32
    %scan3A_6 = arith.constant 1 : i32
    scf.for %scan3A_8 = %scan3A_3 to %scan3A_5 step %scan3A_6  : i32 {
      %mul3A_9 = arith.constant 512 : i32
      %mul3A_10 = arith.muli %scan3A_8, %mul3A_9 : i32
      %add3A_11 = arith.constant 0 : i32
      %add3A_12 = arith.addi %mul3A_10, %add3A_11 : i32
      %dma_start3A = arith.constant 0 : i32
      %dma_start3A_13 = arith.constant 0 : i32
      %dma_start3A_14 = tpu.memref_slice %arg6[%dma_start3A, %dma_start3A_13] : memref<512x128xf32, #tpu.memory_space<vmem>> -> memref<128x128xf32, #tpu.memory_space<vmem>>
      %dma_start3A_15 = tpu.memref_slice %arg5[%add3A_12] : memref<8192xi32, #tpu.memory_space<vmem>> -> memref<128xi32, #tpu.memory_space<vmem>>
      %dma_start3A_16 = arith.constant 0 : i32
      %dma_start3A_17 = arith.constant 0 : i32
      %dma_start3A_18 = tpu.memref_slice %arg2[%dma_start3A_16, %dma_start3A_17] : memref<32768x128xf32, #tpu.memory_space<hbm>> -> memref<32768x128xf32, #tpu.memory_space<hbm>>
      tpu.enqueue_indirect_dma source(%dma_start3A_18 : memref<32768x128xf32, #tpu.memory_space<hbm>>) target(%dma_start3A_14 : memref<128x128xf32, #tpu.memory_space<vmem>>) offsets(%dma_start3A_15 : memref<128xi32, #tpu.memory_space<vmem>>) semaphore(%arg7 : memref<!tpu.dma_semaphore, #tpu.memory_space<semaphore_mem>>)
      %mul3A_19 = arith.constant 512 : i32
      %mul3A_20 = arith.muli %scan3A_8, %mul3A_19 : i32
      %add3A_21 = arith.constant 128 : i32
      %add3A_22 = arith.addi %mul3A_20, %add3A_21 : i32
      %dma_start3A_23 = arith.constant 128 : i32
      %dma_start3A_24 = arith.constant 0 : i32
      %dma_start3A_25 = tpu.memref_slice %arg6[%dma_start3A_23, %dma_start3A_24] : memref<512x128xf32, #tpu.memory_space<vmem>> -> memref<128x128xf32, #tpu.memory_space<vmem>>
      %dma_start3A_26 = tpu.memref_slice %arg5[%add3A_22] : memref<8192xi32, #tpu.memory_space<vmem>> -> memref<128xi32, #tpu.memory_space<vmem>>
      %dma_start3A_27 = arith.constant 0 : i32
      %dma_start3A_28 = arith.constant 0 : i32
      %dma_start3A_29 = tpu.memref_slice %arg2[%dma_start3A_27, %dma_start3A_28] : memref<32768x128xf32, #tpu.memory_space<hbm>> -> memref<32768x128xf32, #tpu.memory_space<hbm>>
      tpu.enqueue_indirect_dma source(%dma_start3A_29 : memref<32768x128xf32, #tpu.memory_space<hbm>>) target(%dma_start3A_25 : memref<128x128xf32, #tpu.memory_space<vmem>>) offsets(%dma_start3A_26 : memref<128xi32, #tpu.memory_space<vmem>>) semaphore(%arg7 : memref<!tpu.dma_semaphore, #tpu.memory_space<semaphore_mem>>)
      %mul3A_30 = arith.constant 512 : i32
      %mul3A_31 = arith.muli %scan3A_8, %mul3A_30 : i32
      %add3A_32 = arith.constant 256 : i32
      %add3A_33 = arith.addi %mul3A_31, %add3A_32 : i32
      %dma_start3A_34 = arith.constant 256 : i32
      %dma_start3A_35 = arith.constant 0 : i32
      %dma_start3A_36 = tpu.memref_slice %arg6[%dma_start3A_34, %dma_start3A_35] : memref<512x128xf32, #tpu.memory_space<vmem>> -> memref<128x128xf32, #tpu.memory_space<vmem>>
      %dma_start3A_37 = tpu.memref_slice %arg5[%add3A_33] : memref<8192xi32, #tpu.memory_space<vmem>> -> memref<128xi32, #tpu.memory_space<vmem>>
      %dma_start3A_38 = arith.constant 0 : i32
      %dma_start3A_39 = arith.constant 0 : i32
      %dma_start3A_40 = tpu.memref_slice %arg2[%dma_start3A_38, %dma_start3A_39] : memref<32768x128xf32, #tpu.memory_space<hbm>> -> memref<32768x128xf32, #tpu.memory_space<hbm>>
      tpu.enqueue_indirect_dma source(%dma_start3A_40 : memref<32768x128xf32, #tpu.memory_space<hbm>>) target(%dma_start3A_36 : memref<128x128xf32, #tpu.memory_space<vmem>>) offsets(%dma_start3A_37 : memref<128xi32, #tpu.memory_space<vmem>>) semaphore(%arg7 : memref<!tpu.dma_semaphore, #tpu.memory_space<semaphore_mem>>)
      %mul3A_41 = arith.constant 512 : i32
      %mul3A_42 = arith.muli %scan3A_8, %mul3A_41 : i32
      %add3A_43 = arith.constant 384 : i32
      %add3A_44 = arith.addi %mul3A_42, %add3A_43 : i32
      %dma_start3A_45 = arith.constant 384 : i32
      %dma_start3A_46 = arith.constant 0 : i32
      %dma_start3A_47 = tpu.memref_slice %arg6[%dma_start3A_45, %dma_start3A_46] : memref<512x128xf32, #tpu.memory_space<vmem>> -> memref<128x128xf32, #tpu.memory_space<vmem>>
      %dma_start3A_48 = tpu.memref_slice %arg5[%add3A_44] : memref<8192xi32, #tpu.memory_space<vmem>> -> memref<128xi32, #tpu.memory_space<vmem>>
      %dma_start3A_49 = arith.constant 0 : i32
      %dma_start3A_50 = arith.constant 0 : i32
      %dma_start3A_51 = tpu.memref_slice %arg2[%dma_start3A_49, %dma_start3A_50] : memref<32768x128xf32, #tpu.memory_space<hbm>> -> memref<32768x128xf32, #tpu.memory_space<hbm>>
      tpu.enqueue_indirect_dma source(%dma_start3A_51 : memref<32768x128xf32, #tpu.memory_space<hbm>>) target(%dma_start3A_47 : memref<128x128xf32, #tpu.memory_space<vmem>>) offsets(%dma_start3A_48 : memref<128xi32, #tpu.memory_space<vmem>>) semaphore(%arg7 : memref<!tpu.dma_semaphore, #tpu.memory_space<semaphore_mem>>)
      %dma_wait3A = arith.constant 0 : i32
      %dma_wait3A_52 = arith.constant 0 : i32
      %dma_wait3A_53 = tpu.memref_slice %arg6[%dma_wait3A, %dma_wait3A_52] : memref<512x128xf32, #tpu.memory_space<vmem>> -> memref<128x128xf32, #tpu.memory_space<vmem>>
      %dma_wait3A_54 = tpu.memref_slice %arg5[%add3A_12] : memref<8192xi32, #tpu.memory_space<vmem>> -> memref<128xi32, #tpu.memory_space<vmem>>
      %dma_wait3A_55 = arith.constant 0 : i32
      %dma_wait3A_56 = arith.constant 0 : i32
      %dma_wait3A_57 = tpu.memref_slice %arg2[%dma_wait3A_55, %dma_wait3A_56] : memref<32768x128xf32, #tpu.memory_space<hbm>> -> memref<32768x128xf32, #tpu.memory_space<hbm>>
      tpu.wait_indirect_dma semaphore(%arg7 : memref<!tpu.dma_semaphore, #tpu.memory_space<semaphore_mem>>) src(%dma_wait3A_57 : memref<32768x128xf32, #tpu.memory_space<hbm>>) dst(%dma_wait3A_53 : memref<128x128xf32, #tpu.memory_space<vmem>>)
      %dma_wait3A_58 = arith.constant 128 : i32
      %dma_wait3A_59 = arith.constant 0 : i32
      %dma_wait3A_60 = tpu.memref_slice %arg6[%dma_wait3A_58, %dma_wait3A_59] : memref<512x128xf32, #tpu.memory_space<vmem>> -> memref<128x128xf32, #tpu.memory_space<vmem>>
      %dma_wait3A_61 = tpu.memref_slice %arg5[%add3A_22] : memref<8192xi32, #tpu.memory_space<vmem>> -> memref<128xi32, #tpu.memory_space<vmem>>
      %dma_wait3A_62 = arith.constant 0 : i32
      %dma_wait3A_63 = arith.constant 0 : i32
      %dma_wait3A_64 = tpu.memref_slice %arg2[%dma_wait3A_62, %dma_wait3A_63] : memref<32768x128xf32, #tpu.memory_space<hbm>> -> memref<32768x128xf32, #tpu.memory_space<hbm>>
      tpu.wait_indirect_dma semaphore(%arg7 : memref<!tpu.dma_semaphore, #tpu.memory_space<semaphore_mem>>) src(%dma_wait3A_64 : memref<32768x128xf32, #tpu.memory_space<hbm>>) dst(%dma_wait3A_60 : memref<128x128xf32, #tpu.memory_space<vmem>>)
      %dma_wait3A_65 = arith.constant 256 : i32
      %dma_wait3A_66 = arith.constant 0 : i32
      %dma_wait3A_67 = tpu.memref_slice %arg6[%dma_wait3A_65, %dma_wait3A_66] : memref<512x128xf32, #tpu.memory_space<vmem>> -> memref<128x128xf32, #tpu.memory_space<vmem>>
      %dma_wait3A_68 = tpu.memref_slice %arg5[%add3A_33] : memref<8192xi32, #tpu.memory_space<vmem>> -> memref<128xi32, #tpu.memory_space<vmem>>
      %dma_wait3A_69 = arith.constant 0 : i32
      %dma_wait3A_70 = arith.constant 0 : i32
      %dma_wait3A_71 = tpu.memref_slice %arg2[%dma_wait3A_69, %dma_wait3A_70] : memref<32768x128xf32, #tpu.memory_space<hbm>> -> memref<32768x128xf32, #tpu.memory_space<hbm>>
      tpu.wait_indirect_dma semaphore(%arg7 : memref<!tpu.dma_semaphore, #tpu.memory_space<semaphore_mem>>) src(%dma_wait3A_71 : memref<32768x128xf32, #tpu.memory_space<hbm>>) dst(%dma_wait3A_67 : memref<128x128xf32, #tpu.memory_space<vmem>>)
      %dma_wait3A_72 = arith.constant 384 : i32
      %dma_wait3A_73 = arith.constant 0 : i32
      %dma_wait3A_74 = tpu.memref_slice %arg6[%dma_wait3A_72, %dma_wait3A_73] : memref<512x128xf32, #tpu.memory_space<vmem>> -> memref<128x128xf32, #tpu.memory_space<vmem>>
      %dma_wait3A_75 = tpu.memref_slice %arg5[%add3A_44] : memref<8192xi32, #tpu.memory_space<vmem>> -> memref<128xi32, #tpu.memory_space<vmem>>
      %dma_wait3A_76 = arith.constant 0 : i32
      %dma_wait3A_77 = arith.constant 0 : i32
      %dma_wait3A_78 = tpu.memref_slice %arg2[%dma_wait3A_76, %dma_wait3A_77] : memref<32768x128xf32, #tpu.memory_space<hbm>> -> memref<32768x128xf32, #tpu.memory_space<hbm>>
      tpu.wait_indirect_dma semaphore(%arg7 : memref<!tpu.dma_semaphore, #tpu.memory_space<semaphore_mem>>) src(%dma_wait3A_78 : memref<32768x128xf32, #tpu.memory_space<hbm>>) dst(%dma_wait3A_74 : memref<128x128xf32, #tpu.memory_space<vmem>>)
      %mul3A_79 = arith.constant 512 : i32
      %mul3A_80 = arith.muli %scan3A_8, %mul3A_79 : i32
      %add3A_81 = arith.addi %mul3A_2, %mul3A_80 : i32
      "tpu.region"() ({
        %run_scoped3A = tpu.sem_alloc : memref<!tpu.dma_semaphore, #tpu.memory_space<semaphore_mem>>
        %dma_start3A_82 = arith.constant 0 : i32
        %dma_start3A_83 = tpu.memref_slice %arg4[%add3A_81, %dma_start3A_82] : memref<262144x128xf32, #tpu.memory_space<hbm>> -> memref<512x128xf32, #tpu.memory_space<hbm>>
        %dma_start3A_84 = arith.constant 0 : i32
        %dma_start3A_85 = tpu.memref_slice %arg4[%add3A_81, %dma_start3A_84] : memref<262144x128xf32, #tpu.memory_space<hbm>> -> memref<512x128xf32, #tpu.memory_space<hbm>>
        tpu.enqueue_dma source(%arg6 : memref<512x128xf32, #tpu.memory_space<vmem>>) target(%dma_start3A_85 : memref<512x128xf32, #tpu.memory_space<hbm>>) target_semaphore(%run_scoped3A : memref<!tpu.dma_semaphore, #tpu.memory_space<semaphore_mem>>)
        %dma_wait3A_86 = arith.constant 0 : i32
        %dma_wait3A_87 = tpu.memref_slice %arg4[%add3A_81, %dma_wait3A_86] : memref<262144x128xf32, #tpu.memory_space<hbm>> -> memref<512x128xf32, #tpu.memory_space<hbm>>
        %dma_wait3A_88 = arith.constant 0 : i32
        %dma_wait3A_89 = tpu.memref_slice %arg4[%add3A_81, %dma_wait3A_88] : memref<262144x128xf32, #tpu.memory_space<hbm>> -> memref<512x128xf32, #tpu.memory_space<hbm>>
        tpu.wait_dma2 semaphore(%run_scoped3A : memref<!tpu.dma_semaphore, #tpu.memory_space<semaphore_mem>>) src(%arg6 : memref<512x128xf32, #tpu.memory_space<vmem>>) dst(%dma_wait3A_89 : memref<512x128xf32, #tpu.memory_space<hbm>>)
        tpu.yield
      }) : () -> ()
    }
    %scan3A_7 = arith.constant 16 : i32
    return
  }
}

module attributes {stable_mosaic.version = 14 : i64} {
  func.func @_fps_body(%arg0: memref<8x4096xf32, #tpu.memory_space<vmem>>, %arg1: memref<8x4096xf32, #tpu.memory_space<vmem>>, %arg2: memref<8x4096xf32, #tpu.memory_space<vmem>>, %arg3: memref<1024x8x3xf32, #tpu.memory_space<vmem>>) attributes {dimension_semantics = [], scalar_prefetch = 0 : i64, scratch_operands = 0 : i64, tpu.core_type = #tpu.core_type<tc>} {
    %get3A = arith.constant 0 : index
    %get3A_0 = arith.constant 0 : index
    %get3A_1 = vector.load %arg0[%get3A, %get3A_0] : memref<8x4096xf32, #tpu.memory_space<vmem>>, vector<8x4096xf32>
    %get3A_2 = arith.constant 0 : index
    %get3A_3 = arith.constant 0 : index
    %get3A_4 = vector.load %arg1[%get3A_2, %get3A_3] : memref<8x4096xf32, #tpu.memory_space<vmem>>, vector<8x4096xf32>
    %get3A_5 = arith.constant 0 : index
    %get3A_6 = arith.constant 0 : index
    %get3A_7 = vector.load %arg2[%get3A_5, %get3A_6] : memref<8x4096xf32, #tpu.memory_space<vmem>>, vector<8x4096xf32>
    %iota3A = tpu.iota {dimensions = array<i32: 1>} : vector<8x4096xi32>
    %broadcast_in_dim3A = arith.constant 1.000000e+10 : f32
    %broadcast_in_dim3A_8 = vector.broadcast %broadcast_in_dim3A : f32 to vector<8x4096xf32>
    %broadcast_in_dim3A_9 = arith.constant 0 : i32
    %broadcast_in_dim3A_10 = vector.broadcast %broadcast_in_dim3A_9 : i32 to vector<8x1xi32>
    %scan3A = arith.constant 0 : i32
    %scan3A_11 = arith.constant 1024 : i32
    %scan3A_12 = arith.addi %scan3A, %scan3A_11 : i32
    %scan3A_13 = arith.constant 1 : i32
    %scan3A_14:2 = scf.for %scan3A_16 = %scan3A to %scan3A_12 step %scan3A_13 iter_args(%scan3A_17 = %broadcast_in_dim3A_8, %scan3A_18 = %broadcast_in_dim3A_10) -> (vector<8x4096xf32>, vector<8x1xi32>)  : i32 {
      %eq3A = vector.broadcast %scan3A_18 : vector<8x1xi32> to vector<8x4096xi32>
      %eq3A_19 = arith.cmpi eq, %iota3A, %eq3A : vector<8x4096xi32>
      %jit3A = arith.constant 0.000000e+00 : f32
      %broadcast_in_dim3A_20 = vector.broadcast %jit3A : f32 to vector<8x4096xf32>
      %select_n3A = arith.select %eq3A_19, %get3A_1, %broadcast_in_dim3A_20 : vector<8x4096xi1>, vector<8x4096xf32>
      %reduce_sum3A = arith.constant dense<0.000000e+00> : vector<8xf32>
      %reduce_sum3A_21 = vector.multi_reduction <add>, %select_n3A, %reduce_sum3A [1] : vector<8x4096xf32> to vector<8xf32>
      %broadcast_in_dim3A_22 = vector.shape_cast %reduce_sum3A_21 : vector<8xf32> to vector<8x1xf32>
      %jit3A_23 = arith.constant 0.000000e+00 : f32
      %broadcast_in_dim3A_24 = vector.broadcast %jit3A_23 : f32 to vector<8x4096xf32>
      %select_n3A_25 = arith.select %eq3A_19, %get3A_4, %broadcast_in_dim3A_24 : vector<8x4096xi1>, vector<8x4096xf32>
      %reduce_sum3A_26 = arith.constant dense<0.000000e+00> : vector<8xf32>
      %reduce_sum3A_27 = vector.multi_reduction <add>, %select_n3A_25, %reduce_sum3A_26 [1] : vector<8x4096xf32> to vector<8xf32>
      %broadcast_in_dim3A_28 = vector.shape_cast %reduce_sum3A_27 : vector<8xf32> to vector<8x1xf32>
      %jit3A_29 = arith.constant 0.000000e+00 : f32
      %broadcast_in_dim3A_30 = vector.broadcast %jit3A_29 : f32 to vector<8x4096xf32>
      %select_n3A_31 = arith.select %eq3A_19, %get3A_7, %broadcast_in_dim3A_30 : vector<8x4096xi1>, vector<8x4096xf32>
      %reduce_sum3A_32 = arith.constant dense<0.000000e+00> : vector<8xf32>
      %reduce_sum3A_33 = vector.multi_reduction <add>, %select_n3A_31, %reduce_sum3A_32 [1] : vector<8x4096xf32> to vector<8xf32>
      %broadcast_in_dim3A_34 = vector.shape_cast %reduce_sum3A_33 : vector<8xf32> to vector<8x1xf32>
      %concatenate3A = tpu.concatenate %broadcast_in_dim3A_22, %broadcast_in_dim3A_28, %broadcast_in_dim3A_34 in 1 : vector<8x1xf32>, vector<8x1xf32>, vector<8x1xf32> -> vector<8x3xf32>
      %broadcast_in_dim3A_35 = vector.shape_cast %concatenate3A : vector<8x3xf32> to vector<1x8x3xf32>
      %swap3A = arith.index_cast %scan3A_16 : i32 to index
      %swap3A_36 = arith.constant 0 : index
      %swap3A_37 = arith.constant 0 : index
      %swap3A_38 = vector.load %arg3[%swap3A, %swap3A_36, %swap3A_37] : memref<1024x8x3xf32, #tpu.memory_space<vmem>>, vector<1x8x3xf32>
      tpu.vector_store %arg3[%swap3A, %swap3A_36, %swap3A_37], %broadcast_in_dim3A_35 {strides = array<i32>} : memref<1024x8x3xf32, #tpu.memory_space<vmem>>, vector<1x8x3xf32>,
      %sub3A = vector.broadcast %broadcast_in_dim3A_22 : vector<8x1xf32> to vector<8x4096xf32>
      %sub3A_39 = arith.subf %get3A_1, %sub3A : vector<8x4096xf32>
      %sub3A_40 = vector.broadcast %broadcast_in_dim3A_28 : vector<8x1xf32> to vector<8x4096xf32>
      %sub3A_41 = arith.subf %get3A_4, %sub3A_40 : vector<8x4096xf32>
      %sub3A_42 = vector.broadcast %broadcast_in_dim3A_34 : vector<8x1xf32> to vector<8x4096xf32>
      %sub3A_43 = arith.subf %get3A_7, %sub3A_42 : vector<8x4096xf32>
      %mul3A = arith.mulf %sub3A_39, %sub3A_39 : vector<8x4096xf32>
      %mul3A_44 = arith.mulf %sub3A_41, %sub3A_41 : vector<8x4096xf32>
      %add3A = arith.addf %mul3A, %mul3A_44 : vector<8x4096xf32>
      %mul3A_45 = arith.mulf %sub3A_43, %sub3A_43 : vector<8x4096xf32>
      %add3A_46 = arith.addf %add3A, %mul3A_45 : vector<8x4096xf32>
      %min3A = arith.minimumf %scan3A_17, %add3A_46 : vector<8x4096xf32>
      %reduce_max3A = arith.constant dense<0xFF800000> : vector<8xf32>
      %reduce_max3A_47 = vector.multi_reduction <maximumf>, %min3A, %reduce_max3A [1] : vector<8x4096xf32> to vector<8xf32>
      %broadcast_in_dim3A_48 = vector.shape_cast %reduce_max3A_47 : vector<8xf32> to vector<8x1xf32>
      %eq3A_49 = vector.broadcast %broadcast_in_dim3A_48 : vector<8x1xf32> to vector<8x4096xf32>
      %eq3A_50 = arith.cmpf oeq, %min3A, %eq3A_49 : vector<8x4096xf32>
      %jit3A_51 = arith.constant 4096 : i32
      %broadcast_in_dim3A_52 = vector.broadcast %jit3A_51 : i32 to vector<8x4096xi32>
      %select_n3A_53 = arith.select %eq3A_50, %iota3A, %broadcast_in_dim3A_52 : vector<8x4096xi1>, vector<8x4096xi32>
      %reduce_min3A = arith.constant dense<2147483647> : vector<8xi32>
      %reduce_min3A_54 = vector.multi_reduction <minsi>, %select_n3A_53, %reduce_min3A [1] : vector<8x4096xi32> to vector<8xi32>
      %broadcast_in_dim3A_55 = vector.shape_cast %reduce_min3A_54 : vector<8xi32> to vector<8x1xi32>
      scf.yield %min3A, %broadcast_in_dim3A_55 : vector<8x4096xf32>, vector<8x1xi32>
    }
    %scan3A_15 = arith.constant 1024 : i32
    return
  }
}

module attributes {stable_mosaic.version = 14 : i64} {
  func.func @_ballq_body(%arg0: i32, %arg1: i32, %arg2: memref<1x1x4096xf32, #tpu.memory_space<vmem>>, %arg3: memref<1x1x4096xf32, #tpu.memory_space<vmem>>, %arg4: memref<1x1x4096xf32, #tpu.memory_space<vmem>>, %arg5: memref<256x3xf32, #tpu.memory_space<vmem>>, %arg6: memref<1x256x32xi32, #tpu.memory_space<vmem>>) attributes {dimension_semantics = [#tpu.dimension_semantics<arbitrary>, #tpu.dimension_semantics<arbitrary>], iteration_bounds = array<i64: 8, 4>, scalar_prefetch = 0 : i64, scratch_operands = 0 : i64, tpu.core_type = #tpu.core_type<tc>, window_params = [{transform_indices = @transform_0, window_bounds = array<i64: 1, 1, 4096>}, {transform_indices = @transform_1, window_bounds = array<i64: 1, 1, 4096>}, {transform_indices = @transform_2, window_bounds = array<i64: 1, 1, 4096>}, {transform_indices = @transform_3, window_bounds = array<i64: 256, 3>}, {transform_indices = @transform_4, window_bounds = array<i64: 1, 256, 32>}]} {
    %get3A = arith.constant 0 : index
    %get3A_0 = arith.constant 0 : index
    %get3A_1 = arith.constant 0 : index
    %get3A_2 = vector.load %arg2[%get3A, %get3A_0, %get3A_1] : memref<1x1x4096xf32, #tpu.memory_space<vmem>>, vector<1x1x4096xf32>
    %get3A_3 = vector.shape_cast %get3A_2 : vector<1x1x4096xf32> to vector<1x4096xf32>
    %get3A_4 = arith.constant 0 : index
    %get3A_5 = arith.constant 0 : index
    %get3A_6 = arith.constant 0 : index
    %get3A_7 = vector.load %arg3[%get3A_4, %get3A_5, %get3A_6] : memref<1x1x4096xf32, #tpu.memory_space<vmem>>, vector<1x1x4096xf32>
    %get3A_8 = vector.shape_cast %get3A_7 : vector<1x1x4096xf32> to vector<1x4096xf32>
    %get3A_9 = arith.constant 0 : index
    %get3A_10 = arith.constant 0 : index
    %get3A_11 = arith.constant 0 : index
    %get3A_12 = vector.load %arg4[%get3A_9, %get3A_10, %get3A_11] : memref<1x1x4096xf32, #tpu.memory_space<vmem>>, vector<1x1x4096xf32>
    %get3A_13 = vector.shape_cast %get3A_12 : vector<1x1x4096xf32> to vector<1x4096xf32>
    %get3A_14 = arith.constant 0 : index
    %get3A_15 = arith.constant 0 : index
    %get3A_16 = vector.load %arg5[%get3A_14, %get3A_15] : memref<256x3xf32, #tpu.memory_space<vmem>>, vector<256x3xf32>
    %slice3A = vector.extract_strided_slice %get3A_16 {offsets = [0, 0], sizes = [256, 1], strides = [1, 1]} : vector<256x3xf32> to vector<256x1xf32>
    %slice3A_17 = vector.extract_strided_slice %get3A_16 {offsets = [0, 1], sizes = [256, 1], strides = [1, 1]} : vector<256x3xf32> to vector<256x1xf32>
    %slice3A_18 = vector.extract_strided_slice %get3A_16 {offsets = [0, 2], sizes = [256, 1], strides = [1, 1]} : vector<256x3xf32> to vector<256x1xf32>
    %convert_element_type3A = arith.truncf %slice3A : vector<256x1xf32> to vector<256x1xbf16>
    %convert_element_type3A_19 = arith.extf %convert_element_type3A : vector<256x1xbf16> to vector<256x1xf32>
    %convert_element_type3A_20 = arith.truncf %get3A_3 : vector<1x4096xf32> to vector<1x4096xbf16>
    %convert_element_type3A_21 = arith.extf %convert_element_type3A_20 : vector<1x4096xbf16> to vector<1x4096xf32>
    %mul3A = vector.broadcast %convert_element_type3A_19 : vector<256x1xf32> to vector<256x4096xf32>
    %mul3A_22 = vector.broadcast %convert_element_type3A_21 : vector<1x4096xf32> to vector<256x4096xf32>
    %mul3A_23 = arith.mulf %mul3A, %mul3A_22 : vector<256x4096xf32>
    %convert_element_type3A_24 = arith.truncf %slice3A_17 : vector<256x1xf32> to vector<256x1xbf16>
    %convert_element_type3A_25 = arith.extf %convert_element_type3A_24 : vector<256x1xbf16> to vector<256x1xf32>
    %convert_element_type3A_26 = arith.truncf %get3A_8 : vector<1x4096xf32> to vector<1x4096xbf16>
    %convert_element_type3A_27 = arith.extf %convert_element_type3A_26 : vector<1x4096xbf16> to vector<1x4096xf32>
    %mul3A_28 = vector.broadcast %convert_element_type3A_25 : vector<256x1xf32> to vector<256x4096xf32>
    %mul3A_29 = vector.broadcast %convert_element_type3A_27 : vector<1x4096xf32> to vector<256x4096xf32>
    %mul3A_30 = arith.mulf %mul3A_28, %mul3A_29 : vector<256x4096xf32>
    %add3A = arith.addf %mul3A_23, %mul3A_30 : vector<256x4096xf32>
    %convert_element_type3A_31 = arith.truncf %slice3A_18 : vector<256x1xf32> to vector<256x1xbf16>
    %convert_element_type3A_32 = arith.extf %convert_element_type3A_31 : vector<256x1xbf16> to vector<256x1xf32>
    %convert_element_type3A_33 = arith.truncf %get3A_13 : vector<1x4096xf32> to vector<1x4096xbf16>
    %convert_element_type3A_34 = arith.extf %convert_element_type3A_33 : vector<1x4096xbf16> to vector<1x4096xf32>
    %mul3A_35 = vector.broadcast %convert_element_type3A_32 : vector<256x1xf32> to vector<256x4096xf32>
    %mul3A_36 = vector.broadcast %convert_element_type3A_34 : vector<1x4096xf32> to vector<256x4096xf32>
    %mul3A_37 = arith.mulf %mul3A_35, %mul3A_36 : vector<256x4096xf32>
    %add3A_38 = arith.addf %add3A, %mul3A_37 : vector<256x4096xf32>
    %mul3A_39 = arith.mulf %get3A_3, %get3A_3 : vector<1x4096xf32>
    %mul3A_40 = arith.mulf %get3A_8, %get3A_8 : vector<1x4096xf32>
    %add3A_41 = arith.addf %mul3A_39, %mul3A_40 : vector<1x4096xf32>
    %mul3A_42 = arith.mulf %get3A_13, %get3A_13 : vector<1x4096xf32>
    %add3A_43 = arith.addf %add3A_41, %mul3A_42 : vector<1x4096xf32>
    %mul3A_44 = arith.mulf %slice3A, %slice3A : vector<256x1xf32>
    %mul3A_45 = arith.mulf %slice3A_17, %slice3A_17 : vector<256x1xf32>
    %add3A_46 = arith.addf %mul3A_44, %mul3A_45 : vector<256x1xf32>
    %mul3A_47 = arith.mulf %slice3A_18, %slice3A_18 : vector<256x1xf32>
    %add3A_48 = arith.addf %add3A_46, %mul3A_47 : vector<256x1xf32>
    %mul3A_49 = arith.constant -2.000000e+00 : f32
    %mul3A_50 = vector.broadcast %mul3A_49 : f32 to vector<256x4096xf32>
    %mul3A_51 = arith.mulf %mul3A_50, %add3A_38 : vector<256x4096xf32>
    %add3A_52 = vector.broadcast %add3A_48 : vector<256x1xf32> to vector<256x4096xf32>
    %add3A_53 = arith.addf %mul3A_51, %add3A_52 : vector<256x4096xf32>
    %add3A_54 = vector.broadcast %add3A_43 : vector<1x4096xf32> to vector<256x4096xf32>
    %add3A_55 = arith.addf %add3A_53, %add3A_54 : vector<256x4096xf32>
    %iota3A = tpu.iota {dimensions = array<i32: 1>} : vector<256x4096xi32>
    %gt3A = arith.constant 2.500000e-01 : f32
    %gt3A_56 = vector.broadcast %gt3A : f32 to vector<256x4096xf32>
    %gt3A_57 = arith.cmpf ogt, %add3A_55, %gt3A_56 : vector<256x4096xf32>
    %jit3A = arith.constant 4096 : i32
    %broadcast_in_dim3A = vector.broadcast %jit3A : i32 to vector<256x4096xi32>
    %select_n3A = arith.select %gt3A_57, %broadcast_in_dim3A, %iota3A : vector<256x4096xi1>, vector<256x4096xi32>
    %reduce_min3A = arith.constant dense<2147483647> : vector<256xi32>
    %reduce_min3A_58 = vector.multi_reduction <minsi>, %select_n3A, %reduce_min3A [1] : vector<256x4096xi32> to vector<256xi32>
    %broadcast_in_dim3A_59 = vector.shape_cast %reduce_min3A_58 : vector<256xi32> to vector<256x1xi32>
    %eq3A = vector.broadcast %broadcast_in_dim3A_59 : vector<256x1xi32> to vector<256x4096xi32>
    %eq3A_60 = arith.cmpi eq, %select_n3A, %eq3A : vector<256x4096xi32>
    %jit3A_61 = arith.constant 4096 : i32
    %broadcast_in_dim3A_62 = vector.broadcast %jit3A_61 : i32 to vector<256x4096xi32>
    %select_n3A_63 = arith.select %eq3A_60, %broadcast_in_dim3A_62, %select_n3A : vector<256x4096xi1>, vector<256x4096xi32>
    %reduce_min3A_64 = arith.constant dense<2147483647> : vector<256xi32>
    %reduce_min3A_65 = vector.multi_reduction <minsi>, %select_n3A_63, %reduce_min3A_64 [1] : vector<256x4096xi32> to vector<256xi32>
    %broadcast_in_dim3A_66 = vector.shape_cast %reduce_min3A_65 : vector<256xi32> to vector<256x1xi32>
    %eq3A_67 = vector.broadcast %broadcast_in_dim3A_66 : vector<256x1xi32> to vector<256x4096xi32>
    %eq3A_68 = arith.cmpi eq, %select_n3A_63, %eq3A_67 : vector<256x4096xi32>
    %jit3A_69 = arith.constant 4096 : i32
    %broadcast_in_dim3A_70 = vector.broadcast %jit3A_69 : i32 to vector<256x4096xi32>
    %select_n3A_71 = arith.select %eq3A_68, %broadcast_in_dim3A_70, %select_n3A_63 : vector<256x4096xi1>, vector<256x4096xi32>
    %reduce_min3A_72 = arith.constant dense<2147483647> : vector<256xi32>
    %reduce_min3A_73 = vector.multi_reduction <minsi>, %select_n3A_71, %reduce_min3A_72 [1] : vector<256x4096xi32> to vector<256xi32>
    %broadcast_in_dim3A_74 = vector.shape_cast %reduce_min3A_73 : vector<256xi32> to vector<256x1xi32>
    %eq3A_75 = vector.broadcast %broadcast_in_dim3A_74 : vector<256x1xi32> to vector<256x4096xi32>
    %eq3A_76 = arith.cmpi eq, %select_n3A_71, %eq3A_75 : vector<256x4096xi32>
    %jit3A_77 = arith.constant 4096 : i32
    %broadcast_in_dim3A_78 = vector.broadcast %jit3A_77 : i32 to vector<256x4096xi32>
    %select_n3A_79 = arith.select %eq3A_76, %broadcast_in_dim3A_78, %select_n3A_71 : vector<256x4096xi1>, vector<256x4096xi32>
    %reduce_min3A_80 = arith.constant dense<2147483647> : vector<256xi32>
    %reduce_min3A_81 = vector.multi_reduction <minsi>, %select_n3A_79, %reduce_min3A_80 [1] : vector<256x4096xi32> to vector<256xi32>
    %broadcast_in_dim3A_82 = vector.shape_cast %reduce_min3A_81 : vector<256xi32> to vector<256x1xi32>
    %eq3A_83 = vector.broadcast %broadcast_in_dim3A_82 : vector<256x1xi32> to vector<256x4096xi32>
    %eq3A_84 = arith.cmpi eq, %select_n3A_79, %eq3A_83 : vector<256x4096xi32>
    %jit3A_85 = arith.constant 4096 : i32
    %broadcast_in_dim3A_86 = vector.broadcast %jit3A_85 : i32 to vector<256x4096xi32>
    %select_n3A_87 = arith.select %eq3A_84, %broadcast_in_dim3A_86, %select_n3A_79 : vector<256x4096xi1>, vector<256x4096xi32>
    %reduce_min3A_88 = arith.constant dense<2147483647> : vector<256xi32>
    %reduce_min3A_89 = vector.multi_reduction <minsi>, %select_n3A_87, %reduce_min3A_88 [1] : vector<256x4096xi32> to vector<256xi32>
    %broadcast_in_dim3A_90 = vector.shape_cast %reduce_min3A_89 : vector<256xi32> to vector<256x1xi32>
    %eq3A_91 = vector.broadcast %broadcast_in_dim3A_90 : vector<256x1xi32> to vector<256x4096xi32>
    %eq3A_92 = arith.cmpi eq, %select_n3A_87, %eq3A_91 : vector<256x4096xi32>
    %jit3A_93 = arith.constant 4096 : i32
    %broadcast_in_dim3A_94 = vector.broadcast %jit3A_93 : i32 to vector<256x4096xi32>
    %select_n3A_95 = arith.select %eq3A_92, %broadcast_in_dim3A_94, %select_n3A_87 : vector<256x4096xi1>, vector<256x4096xi32>
    %reduce_min3A_96 = arith.constant dense<2147483647> : vector<256xi32>
    %reduce_min3A_97 = vector.multi_reduction <minsi>, %select_n3A_95, %reduce_min3A_96 [1] : vector<256x4096xi32> to vector<256xi32>
    %broadcast_in_dim3A_98 = vector.shape_cast %reduce_min3A_97 : vector<256xi32> to vector<256x1xi32>
    %eq3A_99 = vector.broadcast %broadcast_in_dim3A_98 : vector<256x1xi32> to vector<256x4096xi32>
    %eq3A_100 = arith.cmpi eq, %select_n3A_95, %eq3A_99 : vector<256x4096xi32>
    %jit3A_101 = arith.constant 4096 : i32
    %broadcast_in_dim3A_102 = vector.broadcast %jit3A_101 : i32 to vector<256x4096xi32>
    %select_n3A_103 = arith.select %eq3A_100, %broadcast_in_dim3A_102, %select_n3A_95 : vector<256x4096xi1>, vector<256x4096xi32>
    %reduce_min3A_104 = arith.constant dense<2147483647> : vector<256xi32>
    %reduce_min3A_105 = vector.multi_reduction <minsi>, %select_n3A_103, %reduce_min3A_104 [1] : vector<256x4096xi32> to vector<256xi32>
    %broadcast_in_dim3A_106 = vector.shape_cast %reduce_min3A_105 : vector<256xi32> to vector<256x1xi32>
    %eq3A_107 = vector.broadcast %broadcast_in_dim3A_106 : vector<256x1xi32> to vector<256x4096xi32>
    %eq3A_108 = arith.cmpi eq, %select_n3A_103, %eq3A_107 : vector<256x4096xi32>
    %jit3A_109 = arith.constant 4096 : i32
    %broadcast_in_dim3A_110 = vector.broadcast %jit3A_109 : i32 to vector<256x4096xi32>
    %select_n3A_111 = arith.select %eq3A_108, %broadcast_in_dim3A_110, %select_n3A_103 : vector<256x4096xi1>, vector<256x4096xi32>
    %reduce_min3A_112 = arith.constant dense<2147483647> : vector<256xi32>
    %reduce_min3A_113 = vector.multi_reduction <minsi>, %select_n3A_111, %reduce_min3A_112 [1] : vector<256x4096xi32> to vector<256xi32>
    %broadcast_in_dim3A_114 = vector.shape_cast %reduce_min3A_113 : vector<256xi32> to vector<256x1xi32>
    %eq3A_115 = vector.broadcast %broadcast_in_dim3A_114 : vector<256x1xi32> to vector<256x4096xi32>
    %eq3A_116 = arith.cmpi eq, %select_n3A_111, %eq3A_115 : vector<256x4096xi32>
    %jit3A_117 = arith.constant 4096 : i32
    %broadcast_in_dim3A_118 = vector.broadcast %jit3A_117 : i32 to vector<256x4096xi32>
    %select_n3A_119 = arith.select %eq3A_116, %broadcast_in_dim3A_118, %select_n3A_111 : vector<256x4096xi1>, vector<256x4096xi32>
    %reduce_min3A_120 = arith.constant dense<2147483647> : vector<256xi32>
    %reduce_min3A_121 = vector.multi_reduction <minsi>, %select_n3A_119, %reduce_min3A_120 [1] : vector<256x4096xi32> to vector<256xi32>
    %broadcast_in_dim3A_122 = vector.shape_cast %reduce_min3A_121 : vector<256xi32> to vector<256x1xi32>
    %eq3A_123 = vector.broadcast %broadcast_in_dim3A_122 : vector<256x1xi32> to vector<256x4096xi32>
    %eq3A_124 = arith.cmpi eq, %select_n3A_119, %eq3A_123 : vector<256x4096xi32>
    %jit3A_125 = arith.constant 4096 : i32
    %broadcast_in_dim3A_126 = vector.broadcast %jit3A_125 : i32 to vector<256x4096xi32>
    %select_n3A_127 = arith.select %eq3A_124, %broadcast_in_dim3A_126, %select_n3A_119 : vector<256x4096xi1>, vector<256x4096xi32>
    %reduce_min3A_128 = arith.constant dense<2147483647> : vector<256xi32>
    %reduce_min3A_129 = vector.multi_reduction <minsi>, %select_n3A_127, %reduce_min3A_128 [1] : vector<256x4096xi32> to vector<256xi32>
    %broadcast_in_dim3A_130 = vector.shape_cast %reduce_min3A_129 : vector<256xi32> to vector<256x1xi32>
    %eq3A_131 = vector.broadcast %broadcast_in_dim3A_130 : vector<256x1xi32> to vector<256x4096xi32>
    %eq3A_132 = arith.cmpi eq, %select_n3A_127, %eq3A_131 : vector<256x4096xi32>
    %jit3A_133 = arith.constant 4096 : i32
    %broadcast_in_dim3A_134 = vector.broadcast %jit3A_133 : i32 to vector<256x4096xi32>
    %select_n3A_135 = arith.select %eq3A_132, %broadcast_in_dim3A_134, %select_n3A_127 : vector<256x4096xi1>, vector<256x4096xi32>
    %reduce_min3A_136 = arith.constant dense<2147483647> : vector<256xi32>
    %reduce_min3A_137 = vector.multi_reduction <minsi>, %select_n3A_135, %reduce_min3A_136 [1] : vector<256x4096xi32> to vector<256xi32>
    %broadcast_in_dim3A_138 = vector.shape_cast %reduce_min3A_137 : vector<256xi32> to vector<256x1xi32>
    %eq3A_139 = vector.broadcast %broadcast_in_dim3A_138 : vector<256x1xi32> to vector<256x4096xi32>
    %eq3A_140 = arith.cmpi eq, %select_n3A_135, %eq3A_139 : vector<256x4096xi32>
    %jit3A_141 = arith.constant 4096 : i32
    %broadcast_in_dim3A_142 = vector.broadcast %jit3A_141 : i32 to vector<256x4096xi32>
    %select_n3A_143 = arith.select %eq3A_140, %broadcast_in_dim3A_142, %select_n3A_135 : vector<256x4096xi1>, vector<256x4096xi32>
    %reduce_min3A_144 = arith.constant dense<2147483647> : vector<256xi32>
    %reduce_min3A_145 = vector.multi_reduction <minsi>, %select_n3A_143, %reduce_min3A_144 [1] : vector<256x4096xi32> to vector<256xi32>
    %broadcast_in_dim3A_146 = vector.shape_cast %reduce_min3A_145 : vector<256xi32> to vector<256x1xi32>
    %eq3A_147 = vector.broadcast %broadcast_in_dim3A_146 : vector<256x1xi32> to vector<256x4096xi32>
    %eq3A_148 = arith.cmpi eq, %select_n3A_143, %eq3A_147 : vector<256x4096xi32>
    %jit3A_149 = arith.constant 4096 : i32
    %broadcast_in_dim3A_150 = vector.broadcast %jit3A_149 : i32 to vector<256x4096xi32>
    %select_n3A_151 = arith.select %eq3A_148, %broadcast_in_dim3A_150, %select_n3A_143 : vector<256x4096xi1>, vector<256x4096xi32>
    %reduce_min3A_152 = arith.constant dense<2147483647> : vector<256xi32>
    %reduce_min3A_153 = vector.multi_reduction <minsi>, %select_n3A_151, %reduce_min3A_152 [1] : vector<256x4096xi32> to vector<256xi32>
    %broadcast_in_dim3A_154 = vector.shape_cast %reduce_min3A_153 : vector<256xi32> to vector<256x1xi32>
    %eq3A_155 = vector.broadcast %broadcast_in_dim3A_154 : vector<256x1xi32> to vector<256x4096xi32>
    %eq3A_156 = arith.cmpi eq, %select_n3A_151, %eq3A_155 : vector<256x4096xi32>
    %jit3A_157 = arith.constant 4096 : i32
    %broadcast_in_dim3A_158 = vector.broadcast %jit3A_157 : i32 to vector<256x4096xi32>
    %select_n3A_159 = arith.select %eq3A_156, %broadcast_in_dim3A_158, %select_n3A_151 : vector<256x4096xi1>, vector<256x4096xi32>
    %reduce_min3A_160 = arith.constant dense<2147483647> : vector<256xi32>
    %reduce_min3A_161 = vector.multi_reduction <minsi>, %select_n3A_159, %reduce_min3A_160 [1] : vector<256x4096xi32> to vector<256xi32>
    %broadcast_in_dim3A_162 = vector.shape_cast %reduce_min3A_161 : vector<256xi32> to vector<256x1xi32>
    %eq3A_163 = vector.broadcast %broadcast_in_dim3A_162 : vector<256x1xi32> to vector<256x4096xi32>
    %eq3A_164 = arith.cmpi eq, %select_n3A_159, %eq3A_163 : vector<256x4096xi32>
    %jit3A_165 = arith.constant 4096 : i32
    %broadcast_in_dim3A_166 = vector.broadcast %jit3A_165 : i32 to vector<256x4096xi32>
    %select_n3A_167 = arith.select %eq3A_164, %broadcast_in_dim3A_166, %select_n3A_159 : vector<256x4096xi1>, vector<256x4096xi32>
    %reduce_min3A_168 = arith.constant dense<2147483647> : vector<256xi32>
    %reduce_min3A_169 = vector.multi_reduction <minsi>, %select_n3A_167, %reduce_min3A_168 [1] : vector<256x4096xi32> to vector<256xi32>
    %broadcast_in_dim3A_170 = vector.shape_cast %reduce_min3A_169 : vector<256xi32> to vector<256x1xi32>
    %eq3A_171 = vector.broadcast %broadcast_in_dim3A_170 : vector<256x1xi32> to vector<256x4096xi32>
    %eq3A_172 = arith.cmpi eq, %select_n3A_167, %eq3A_171 : vector<256x4096xi32>
    %jit3A_173 = arith.constant 4096 : i32
    %broadcast_in_dim3A_174 = vector.broadcast %jit3A_173 : i32 to vector<256x4096xi32>
    %select_n3A_175 = arith.select %eq3A_172, %broadcast_in_dim3A_174, %select_n3A_167 : vector<256x4096xi1>, vector<256x4096xi32>
    %reduce_min3A_176 = arith.constant dense<2147483647> : vector<256xi32>
    %reduce_min3A_177 = vector.multi_reduction <minsi>, %select_n3A_175, %reduce_min3A_176 [1] : vector<256x4096xi32> to vector<256xi32>
    %broadcast_in_dim3A_178 = vector.shape_cast %reduce_min3A_177 : vector<256xi32> to vector<256x1xi32>
    %eq3A_179 = vector.broadcast %broadcast_in_dim3A_178 : vector<256x1xi32> to vector<256x4096xi32>
    %eq3A_180 = arith.cmpi eq, %select_n3A_175, %eq3A_179 : vector<256x4096xi32>
    %jit3A_181 = arith.constant 4096 : i32
    %broadcast_in_dim3A_182 = vector.broadcast %jit3A_181 : i32 to vector<256x4096xi32>
    %select_n3A_183 = arith.select %eq3A_180, %broadcast_in_dim3A_182, %select_n3A_175 : vector<256x4096xi1>, vector<256x4096xi32>
    %reduce_min3A_184 = arith.constant dense<2147483647> : vector<256xi32>
    %reduce_min3A_185 = vector.multi_reduction <minsi>, %select_n3A_183, %reduce_min3A_184 [1] : vector<256x4096xi32> to vector<256xi32>
    %broadcast_in_dim3A_186 = vector.shape_cast %reduce_min3A_185 : vector<256xi32> to vector<256x1xi32>
    %eq3A_187 = vector.broadcast %broadcast_in_dim3A_186 : vector<256x1xi32> to vector<256x4096xi32>
    %eq3A_188 = arith.cmpi eq, %select_n3A_183, %eq3A_187 : vector<256x4096xi32>
    %jit3A_189 = arith.constant 4096 : i32
    %broadcast_in_dim3A_190 = vector.broadcast %jit3A_189 : i32 to vector<256x4096xi32>
    %select_n3A_191 = arith.select %eq3A_188, %broadcast_in_dim3A_190, %select_n3A_183 : vector<256x4096xi1>, vector<256x4096xi32>
    %reduce_min3A_192 = arith.constant dense<2147483647> : vector<256xi32>
    %reduce_min3A_193 = vector.multi_reduction <minsi>, %select_n3A_191, %reduce_min3A_192 [1] : vector<256x4096xi32> to vector<256xi32>
    %broadcast_in_dim3A_194 = vector.shape_cast %reduce_min3A_193 : vector<256xi32> to vector<256x1xi32>
    %eq3A_195 = vector.broadcast %broadcast_in_dim3A_194 : vector<256x1xi32> to vector<256x4096xi32>
    %eq3A_196 = arith.cmpi eq, %select_n3A_191, %eq3A_195 : vector<256x4096xi32>
    %jit3A_197 = arith.constant 4096 : i32
    %broadcast_in_dim3A_198 = vector.broadcast %jit3A_197 : i32 to vector<256x4096xi32>
    %select_n3A_199 = arith.select %eq3A_196, %broadcast_in_dim3A_198, %select_n3A_191 : vector<256x4096xi1>, vector<256x4096xi32>
    %reduce_min3A_200 = arith.constant dense<2147483647> : vector<256xi32>
    %reduce_min3A_201 = vector.multi_reduction <minsi>, %select_n3A_199, %reduce_min3A_200 [1] : vector<256x4096xi32> to vector<256xi32>
    %broadcast_in_dim3A_202 = vector.shape_cast %reduce_min3A_201 : vector<256xi32> to vector<256x1xi32>
    %eq3A_203 = vector.broadcast %broadcast_in_dim3A_202 : vector<256x1xi32> to vector<256x4096xi32>
    %eq3A_204 = arith.cmpi eq, %select_n3A_199, %eq3A_203 : vector<256x4096xi32>
    %jit3A_205 = arith.constant 4096 : i32
    %broadcast_in_dim3A_206 = vector.broadcast %jit3A_205 : i32 to vector<256x4096xi32>
    %select_n3A_207 = arith.select %eq3A_204, %broadcast_in_dim3A_206, %select_n3A_199 : vector<256x4096xi1>, vector<256x4096xi32>
    %reduce_min3A_208 = arith.constant dense<2147483647> : vector<256xi32>
    %reduce_min3A_209 = vector.multi_reduction <minsi>, %select_n3A_207, %reduce_min3A_208 [1] : vector<256x4096xi32> to vector<256xi32>
    %broadcast_in_dim3A_210 = vector.shape_cast %reduce_min3A_209 : vector<256xi32> to vector<256x1xi32>
    %eq3A_211 = vector.broadcast %broadcast_in_dim3A_210 : vector<256x1xi32> to vector<256x4096xi32>
    %eq3A_212 = arith.cmpi eq, %select_n3A_207, %eq3A_211 : vector<256x4096xi32>
    %jit3A_213 = arith.constant 4096 : i32
    %broadcast_in_dim3A_214 = vector.broadcast %jit3A_213 : i32 to vector<256x4096xi32>
    %select_n3A_215 = arith.select %eq3A_212, %broadcast_in_dim3A_214, %select_n3A_207 : vector<256x4096xi1>, vector<256x4096xi32>
    %reduce_min3A_216 = arith.constant dense<2147483647> : vector<256xi32>
    %reduce_min3A_217 = vector.multi_reduction <minsi>, %select_n3A_215, %reduce_min3A_216 [1] : vector<256x4096xi32> to vector<256xi32>
    %broadcast_in_dim3A_218 = vector.shape_cast %reduce_min3A_217 : vector<256xi32> to vector<256x1xi32>
    %eq3A_219 = vector.broadcast %broadcast_in_dim3A_218 : vector<256x1xi32> to vector<256x4096xi32>
    %eq3A_220 = arith.cmpi eq, %select_n3A_215, %eq3A_219 : vector<256x4096xi32>
    %jit3A_221 = arith.constant 4096 : i32
    %broadcast_in_dim3A_222 = vector.broadcast %jit3A_221 : i32 to vector<256x4096xi32>
    %select_n3A_223 = arith.select %eq3A_220, %broadcast_in_dim3A_222, %select_n3A_215 : vector<256x4096xi1>, vector<256x4096xi32>
    %reduce_min3A_224 = arith.constant dense<2147483647> : vector<256xi32>
    %reduce_min3A_225 = vector.multi_reduction <minsi>, %select_n3A_223, %reduce_min3A_224 [1] : vector<256x4096xi32> to vector<256xi32>
    %broadcast_in_dim3A_226 = vector.shape_cast %reduce_min3A_225 : vector<256xi32> to vector<256x1xi32>
    %eq3A_227 = vector.broadcast %broadcast_in_dim3A_226 : vector<256x1xi32> to vector<256x4096xi32>
    %eq3A_228 = arith.cmpi eq, %select_n3A_223, %eq3A_227 : vector<256x4096xi32>
    %jit3A_229 = arith.constant 4096 : i32
    %broadcast_in_dim3A_230 = vector.broadcast %jit3A_229 : i32 to vector<256x4096xi32>
    %select_n3A_231 = arith.select %eq3A_228, %broadcast_in_dim3A_230, %select_n3A_223 : vector<256x4096xi1>, vector<256x4096xi32>
    %reduce_min3A_232 = arith.constant dense<2147483647> : vector<256xi32>
    %reduce_min3A_233 = vector.multi_reduction <minsi>, %select_n3A_231, %reduce_min3A_232 [1] : vector<256x4096xi32> to vector<256xi32>
    %broadcast_in_dim3A_234 = vector.shape_cast %reduce_min3A_233 : vector<256xi32> to vector<256x1xi32>
    %eq3A_235 = vector.broadcast %broadcast_in_dim3A_234 : vector<256x1xi32> to vector<256x4096xi32>
    %eq3A_236 = arith.cmpi eq, %select_n3A_231, %eq3A_235 : vector<256x4096xi32>
    %jit3A_237 = arith.constant 4096 : i32
    %broadcast_in_dim3A_238 = vector.broadcast %jit3A_237 : i32 to vector<256x4096xi32>
    %select_n3A_239 = arith.select %eq3A_236, %broadcast_in_dim3A_238, %select_n3A_231 : vector<256x4096xi1>, vector<256x4096xi32>
    %reduce_min3A_240 = arith.constant dense<2147483647> : vector<256xi32>
    %reduce_min3A_241 = vector.multi_reduction <minsi>, %select_n3A_239, %reduce_min3A_240 [1] : vector<256x4096xi32> to vector<256xi32>
    %broadcast_in_dim3A_242 = vector.shape_cast %reduce_min3A_241 : vector<256xi32> to vector<256x1xi32>
    %eq3A_243 = vector.broadcast %broadcast_in_dim3A_242 : vector<256x1xi32> to vector<256x4096xi32>
    %eq3A_244 = arith.cmpi eq, %select_n3A_239, %eq3A_243 : vector<256x4096xi32>
    %jit3A_245 = arith.constant 4096 : i32
    %broadcast_in_dim3A_246 = vector.broadcast %jit3A_245 : i32 to vector<256x4096xi32>
    %select_n3A_247 = arith.select %eq3A_244, %broadcast_in_dim3A_246, %select_n3A_239 : vector<256x4096xi1>, vector<256x4096xi32>
    %reduce_min3A_248 = arith.constant dense<2147483647> : vector<256xi32>
    %reduce_min3A_249 = vector.multi_reduction <minsi>, %select_n3A_247, %reduce_min3A_248 [1] : vector<256x4096xi32> to vector<256xi32>
    %broadcast_in_dim3A_250 = vector.shape_cast %reduce_min3A_249 : vector<256xi32> to vector<256x1xi32>
    %eq3A_251 = vector.broadcast %broadcast_in_dim3A_250 : vector<256x1xi32> to vector<256x4096xi32>
    %eq3A_252 = arith.cmpi eq, %select_n3A_247, %eq3A_251 : vector<256x4096xi32>
    %jit3A_253 = arith.constant 4096 : i32
    %broadcast_in_dim3A_254 = vector.broadcast %jit3A_253 : i32 to vector<256x4096xi32>
    %select_n3A_255 = arith.select %eq3A_252, %broadcast_in_dim3A_254, %select_n3A_247 : vector<256x4096xi1>, vector<256x4096xi32>
    %reduce_min3A_256 = arith.constant dense<2147483647> : vector<256xi32>
    %reduce_min3A_257 = vector.multi_reduction <minsi>, %select_n3A_255, %reduce_min3A_256 [1] : vector<256x4096xi32> to vector<256xi32>
    %broadcast_in_dim3A_258 = vector.shape_cast %reduce_min3A_257 : vector<256xi32> to vector<256x1xi32>
    %eq3A_259 = vector.broadcast %broadcast_in_dim3A_258 : vector<256x1xi32> to vector<256x4096xi32>
    %eq3A_260 = arith.cmpi eq, %select_n3A_255, %eq3A_259 : vector<256x4096xi32>
    %jit3A_261 = arith.constant 4096 : i32
    %broadcast_in_dim3A_262 = vector.broadcast %jit3A_261 : i32 to vector<256x4096xi32>
    %select_n3A_263 = arith.select %eq3A_260, %broadcast_in_dim3A_262, %select_n3A_255 : vector<256x4096xi1>, vector<256x4096xi32>
    %reduce_min3A_264 = arith.constant dense<2147483647> : vector<256xi32>
    %reduce_min3A_265 = vector.multi_reduction <minsi>, %select_n3A_263, %reduce_min3A_264 [1] : vector<256x4096xi32> to vector<256xi32>
    %broadcast_in_dim3A_266 = vector.shape_cast %reduce_min3A_265 : vector<256xi32> to vector<256x1xi32>
    %eq3A_267 = vector.broadcast %broadcast_in_dim3A_266 : vector<256x1xi32> to vector<256x4096xi32>
    %eq3A_268 = arith.cmpi eq, %select_n3A_263, %eq3A_267 : vector<256x4096xi32>
    %jit3A_269 = arith.constant 4096 : i32
    %broadcast_in_dim3A_270 = vector.broadcast %jit3A_269 : i32 to vector<256x4096xi32>
    %select_n3A_271 = arith.select %eq3A_268, %broadcast_in_dim3A_270, %select_n3A_263 : vector<256x4096xi1>, vector<256x4096xi32>
    %reduce_min3A_272 = arith.constant dense<2147483647> : vector<256xi32>
    %reduce_min3A_273 = vector.multi_reduction <minsi>, %select_n3A_271, %reduce_min3A_272 [1] : vector<256x4096xi32> to vector<256xi32>
    %broadcast_in_dim3A_274 = vector.shape_cast %reduce_min3A_273 : vector<256xi32> to vector<256x1xi32>
    %eq3A_275 = vector.broadcast %broadcast_in_dim3A_274 : vector<256x1xi32> to vector<256x4096xi32>
    %eq3A_276 = arith.cmpi eq, %select_n3A_271, %eq3A_275 : vector<256x4096xi32>
    %jit3A_277 = arith.constant 4096 : i32
    %broadcast_in_dim3A_278 = vector.broadcast %jit3A_277 : i32 to vector<256x4096xi32>
    %select_n3A_279 = arith.select %eq3A_276, %broadcast_in_dim3A_278, %select_n3A_271 : vector<256x4096xi1>, vector<256x4096xi32>
    %reduce_min3A_280 = arith.constant dense<2147483647> : vector<256xi32>
    %reduce_min3A_281 = vector.multi_reduction <minsi>, %select_n3A_279, %reduce_min3A_280 [1] : vector<256x4096xi32> to vector<256xi32>
    %broadcast_in_dim3A_282 = vector.shape_cast %reduce_min3A_281 : vector<256xi32> to vector<256x1xi32>
    %eq3A_283 = vector.broadcast %broadcast_in_dim3A_282 : vector<256x1xi32> to vector<256x4096xi32>
    %eq3A_284 = arith.cmpi eq, %select_n3A_279, %eq3A_283 : vector<256x4096xi32>
    %jit3A_285 = arith.constant 4096 : i32
    %broadcast_in_dim3A_286 = vector.broadcast %jit3A_285 : i32 to vector<256x4096xi32>
    %select_n3A_287 = arith.select %eq3A_284, %broadcast_in_dim3A_286, %select_n3A_279 : vector<256x4096xi1>, vector<256x4096xi32>
    %reduce_min3A_288 = arith.constant dense<2147483647> : vector<256xi32>
    %reduce_min3A_289 = vector.multi_reduction <minsi>, %select_n3A_287, %reduce_min3A_288 [1] : vector<256x4096xi32> to vector<256xi32>
    %broadcast_in_dim3A_290 = vector.shape_cast %reduce_min3A_289 : vector<256xi32> to vector<256x1xi32>
    %eq3A_291 = vector.broadcast %broadcast_in_dim3A_290 : vector<256x1xi32> to vector<256x4096xi32>
    %eq3A_292 = arith.cmpi eq, %select_n3A_287, %eq3A_291 : vector<256x4096xi32>
    %jit3A_293 = arith.constant 4096 : i32
    %broadcast_in_dim3A_294 = vector.broadcast %jit3A_293 : i32 to vector<256x4096xi32>
    %select_n3A_295 = arith.select %eq3A_292, %broadcast_in_dim3A_294, %select_n3A_287 : vector<256x4096xi1>, vector<256x4096xi32>
    %reduce_min3A_296 = arith.constant dense<2147483647> : vector<256xi32>
    %reduce_min3A_297 = vector.multi_reduction <minsi>, %select_n3A_295, %reduce_min3A_296 [1] : vector<256x4096xi32> to vector<256xi32>
    %broadcast_in_dim3A_298 = vector.shape_cast %reduce_min3A_297 : vector<256xi32> to vector<256x1xi32>
    %eq3A_299 = vector.broadcast %broadcast_in_dim3A_298 : vector<256x1xi32> to vector<256x4096xi32>
    %eq3A_300 = arith.cmpi eq, %select_n3A_295, %eq3A_299 : vector<256x4096xi32>
    %jit3A_301 = arith.constant 4096 : i32
    %broadcast_in_dim3A_302 = vector.broadcast %jit3A_301 : i32 to vector<256x4096xi32>
    %select_n3A_303 = arith.select %eq3A_300, %broadcast_in_dim3A_302, %select_n3A_295 : vector<256x4096xi1>, vector<256x4096xi32>
    %reduce_min3A_304 = arith.constant dense<2147483647> : vector<256xi32>
    %reduce_min3A_305 = vector.multi_reduction <minsi>, %select_n3A_303, %reduce_min3A_304 [1] : vector<256x4096xi32> to vector<256xi32>
    %broadcast_in_dim3A_306 = vector.shape_cast %reduce_min3A_305 : vector<256xi32> to vector<256x1xi32>
    %concatenate3A = tpu.concatenate %broadcast_in_dim3A_59, %broadcast_in_dim3A_66, %broadcast_in_dim3A_74, %broadcast_in_dim3A_82, %broadcast_in_dim3A_90, %broadcast_in_dim3A_98, %broadcast_in_dim3A_106, %broadcast_in_dim3A_114, %broadcast_in_dim3A_122, %broadcast_in_dim3A_130, %broadcast_in_dim3A_138, %broadcast_in_dim3A_146, %broadcast_in_dim3A_154, %broadcast_in_dim3A_162, %broadcast_in_dim3A_170, %broadcast_in_dim3A_178, %broadcast_in_dim3A_186, %broadcast_in_dim3A_194, %broadcast_in_dim3A_202, %broadcast_in_dim3A_210, %broadcast_in_dim3A_218, %broadcast_in_dim3A_226, %broadcast_in_dim3A_234, %broadcast_in_dim3A_242, %broadcast_in_dim3A_250, %broadcast_in_dim3A_258, %broadcast_in_dim3A_266, %broadcast_in_dim3A_274, %broadcast_in_dim3A_282, %broadcast_in_dim3A_290, %broadcast_in_dim3A_298, %broadcast_in_dim3A_306 in 1 : vector<256x1xi32>, vector<256x1xi32>, vector<256x1xi32>, vector<256x1xi32>, vector<256x1xi32>, vector<256x1xi32>, vector<256x1xi32>, vector<256x1xi32>, vector<256x1xi32>, vector<256x1xi32>, vector<256x1xi32>, vector<256x1xi32>, vector<256x1xi32>, vector<256x1xi32>, vector<256x1xi32>, vector<256x1xi32>, vector<256x1xi32>, vector<256x1xi32>, vector<256x1xi32>, vector<256x1xi32>, vector<256x1xi32>, vector<256x1xi32>, vector<256x1xi32>, vector<256x1xi32>, vector<256x1xi32>, vector<256x1xi32>, vector<256x1xi32>, vector<256x1xi32>, vector<256x1xi32>, vector<256x1xi32>, vector<256x1xi32>, vector<256x1xi32> -> vector<256x32xi32>
    %eq3A_307 = arith.constant 4096 : i32
    %eq3A_308 = vector.broadcast %eq3A_307 : i32 to vector<256x32xi32>
    %eq3A_309 = arith.cmpi eq, %concatenate3A, %eq3A_308 : vector<256x32xi32>
    %broadcast_in_dim3A_310 = vector.shape_cast %broadcast_in_dim3A_59 : vector<256x1xi32> to vector<256x1xi32>
    %broadcast_in_dim3A_311 = vector.broadcast %broadcast_in_dim3A_310 : vector<256x1xi32> to vector<256x32xi32>
    %select_n3A_312 = arith.select %eq3A_309, %broadcast_in_dim3A_311, %concatenate3A : vector<256x32xi1>, vector<256x32xi32>
    %broadcast_in_dim3A_313 = vector.shape_cast %select_n3A_312 : vector<256x32xi32> to vector<1x256x32xi32>
    %swap3A = arith.constant 0 : index
    %swap3A_314 = arith.constant 0 : index
    %swap3A_315 = arith.constant 0 : index
    %swap3A_316 = vector.load %arg6[%swap3A, %swap3A_314, %swap3A_315] : memref<1x256x32xi32, #tpu.memory_space<vmem>>, vector<1x256x32xi32>
    tpu.vector_store %arg6[%swap3A, %swap3A_314, %swap3A_315], %broadcast_in_dim3A_313 {strides = array<i32>} : memref<1x256x32xi32, #tpu.memory_space<vmem>>, vector<1x256x32xi32>,
    return
  }
  func.func @transform_0(%arg0: i32, %arg1: i32) -> (i32, i32, i32) {
    %c0_i32 = arith.constant 0 : i32
    %c0_i32_0 = arith.constant 0 : i32
    %c0_i32_1 = arith.constant 0 : i32
    return %arg0, %c0_i32, %c0_i32_0 : i32, i32, i32
  }
  func.func @transform_1(%arg0: i32, %arg1: i32) -> (i32, i32, i32) {
    %c0_i32 = arith.constant 0 : i32
    %c0_i32_0 = arith.constant 0 : i32
    %c0_i32_1 = arith.constant 0 : i32
    return %arg0, %c0_i32, %c0_i32_0 : i32, i32, i32
  }
  func.func @transform_2(%arg0: i32, %arg1: i32) -> (i32, i32, i32) {
    %c0_i32 = arith.constant 0 : i32
    %c0_i32_0 = arith.constant 0 : i32
    %c0_i32_1 = arith.constant 0 : i32
    return %arg0, %c0_i32, %c0_i32_0 : i32, i32, i32
  }
  func.func @transform_3(%arg0: i32, %arg1: i32) -> (i32, i32) {
    %mul3A = arith.constant 4 : i32
    %mul3A_0 = arith.muli %arg0, %mul3A : i32
    %add3A = arith.addi %mul3A_0, %arg1 : i32
    %c0_i32 = arith.constant 0 : i32
    %c0_i32_1 = arith.constant 0 : i32
    return %add3A, %c0_i32 : i32, i32
  }
  func.func @transform_4(%arg0: i32, %arg1: i32) -> (i32, i32, i32) {
    %c0_i32 = arith.constant 0 : i32
    %c0_i32_0 = arith.constant 0 : i32
    return %arg0, %arg1, %c0_i32 : i32, i32, i32
  }
}

module attributes {stable_mosaic.version = 14 : i64} {
  func.func @_k0_body(%arg0: i32, %arg1: memref<1024x128xf32, #tpu.memory_space<vmem>>, %arg2: memref<32x3xf32, #tpu.memory_space<vmem>>, %arg3: memref<128x64xf32, #tpu.memory_space<vmem>>, %arg4: memref<3x64xf32, #tpu.memory_space<vmem>>, %arg5: memref<1x64xf32, #tpu.memory_space<vmem>>, %arg6: memref<1024x64xf32, #tpu.memory_space<vmem>>, %arg7: memref<8x64xf32, #tpu.memory_space<vmem>>) attributes {dimension_semantics = [#tpu.dimension_semantics<arbitrary>], iteration_bounds = array<i64: 256>, scalar_prefetch = 0 : i64, scratch_operands = 0 : i64, tpu.core_type = #tpu.core_type<tc>, window_params = [{transform_indices = @transform_0, window_bounds = array<i64: 1024, 128>}, {transform_indices = @transform_1, window_bounds = array<i64: 32, 3>}, {pipeline_mode = #tpu.pipeline_mode<synchronous>, transform_indices = @transform_2, window_bounds = array<i64: 128, 64>}, {pipeline_mode = #tpu.pipeline_mode<synchronous>, transform_indices = @transform_3, window_bounds = array<i64: 3, 64>}, {pipeline_mode = #tpu.pipeline_mode<synchronous>, transform_indices = @transform_4, window_bounds = array<i64: 1, 64>}, {transform_indices = @transform_5, window_bounds = array<i64: 1024, 64>}, {pipeline_mode = #tpu.pipeline_mode<synchronous>, transform_indices = @transform_6, window_bounds = array<i64: 8, 64>}]} {
    %get3A = arith.constant 0 : index
    %get3A_0 = arith.constant 0 : index
    %get3A_1 = vector.load %arg1[%get3A, %get3A_0] : memref<1024x128xf32, #tpu.memory_space<vmem>>, vector<1024x128xf32>
    %get3A_2 = arith.constant 0 : index
    %get3A_3 = arith.constant 0 : index
    %get3A_4 = vector.load %arg2[%get3A_2, %get3A_3] : memref<32x3xf32, #tpu.memory_space<vmem>>, vector<32x3xf32>
    %get3A_5 = arith.constant 0 : index
    %get3A_6 = arith.constant 0 : index
    %get3A_7 = vector.load %arg4[%get3A_5, %get3A_6] : memref<3x64xf32, #tpu.memory_space<vmem>>, vector<3x64xf32>
    %dot_general3A = arith.constant dense<0.000000e+00> : vector<32x64xf32>
    %dot_general3A_8 = tpu.matmul %get3A_4, %get3A_7, %dot_general3A {dimension_numbers = #tpu.dot_dimension_numbers<[1], [0], [0], [1], [0, 0, 1, 1], [], []>, transpose_lhs_hint = false} : vector<32x3xf32>, vector<3x64xf32>, vector<32x64xf32> -> vector<32x64xf32>
    %broadcast_in_dim3A = vector.shape_cast %dot_general3A_8 : vector<32x64xf32> to vector<32x1x64xf32>
    %broadcast_in_dim3A_9 = vector.shape_cast %broadcast_in_dim3A : vector<32x1x64xf32> to vector<32x1x64xf32>
    %broadcast_in_dim3A_10 = vector.broadcast %broadcast_in_dim3A_9 : vector<32x1x64xf32> to vector<32x32x64xf32>
    %reshape3A = vector.shape_cast %broadcast_in_dim3A_10 : vector<32x32x64xf32> to vector<1024x64xf32>
    %get3A_11 = arith.constant 0 : index
    %get3A_12 = arith.constant 0 : index
    %get3A_13 = vector.load %arg3[%get3A_11, %get3A_12] : memref<128x64xf32, #tpu.memory_space<vmem>>, vector<128x64xf32>
    %dot_general3A_14 = arith.constant dense<0.000000e+00> : vector<1024x64xf32>
    %dot_general3A_15 = tpu.matmul %get3A_1, %get3A_13, %dot_general3A_14 {dimension_numbers = #tpu.dot_dimension_numbers<[1], [0], [0], [1], [0, 0, 1, 1], [], []>, transpose_lhs_hint = false} : vector<1024x128xf32>, vector<128x64xf32>, vector<1024x64xf32> -> vector<1024x64xf32>
    %get3A_16 = arith.constant 0 : index
    %get3A_17 = arith.constant 0 : index
    %get3A_18 = vector.load %arg5[%get3A_16, %get3A_17] : memref<1x64xf32, #tpu.memory_space<vmem>>, vector<1x64xf32>
    %add3A = vector.broadcast %get3A_18 : vector<1x64xf32> to vector<1024x64xf32>
    %add3A_19 = arith.addf %dot_general3A_15, %add3A : vector<1024x64xf32>
    %sub3A = arith.subf %add3A_19, %reshape3A : vector<1024x64xf32>
    %swap3A = arith.constant 0 : index
    %swap3A_20 = arith.constant 0 : index
    %swap3A_21 = vector.load %arg6[%swap3A, %swap3A_20] : memref<1024x64xf32, #tpu.memory_space<vmem>>, vector<1024x64xf32>
    tpu.vector_store %arg6[%swap3A, %swap3A_20], %sub3A {strides = array<i32>} : memref<1024x64xf32, #tpu.memory_space<vmem>>, vector<1024x64xf32>,
    %eq3A = arith.constant 0 : i32
    %eq3A_22 = arith.cmpi eq, %arg0, %eq3A : i32
    %convert_element_type3A = arith.extui %eq3A_22 : i1 to i32
    %cond3A = arith.constant 0 : i32
    %cond3A_23 = arith.cmpi ne, %convert_element_type3A, %cond3A : i32
    scf.if %cond3A_23 {
      %broadcast_in_dim3A_36 = arith.constant 0.000000e+00 : f32
      %broadcast_in_dim3A_37 = vector.broadcast %broadcast_in_dim3A_36 : f32 to vector<8x64xf32>
      %swap3A_38 = arith.constant 0 : index
      %swap3A_39 = arith.constant 0 : index
      %swap3A_40 = vector.load %arg7[%swap3A_38, %swap3A_39] : memref<8x64xf32, #tpu.memory_space<vmem>>, vector<8x64xf32>
      tpu.vector_store %arg7[%swap3A_38, %swap3A_39], %broadcast_in_dim3A_37 {strides = array<i32>} : memref<8x64xf32, #tpu.memory_space<vmem>>, vector<8x64xf32>,
    } else {
    }
    %reduce_sum3A = arith.constant dense<0.000000e+00> : vector<64xf32>
    %reduce_sum3A_24 = vector.multi_reduction <add>, %sub3A, %reduce_sum3A [0] : vector<1024x64xf32> to vector<64xf32>
    %broadcast_in_dim3A_25 = vector.shape_cast %reduce_sum3A_24 : vector<64xf32> to vector<1x64xf32>
    %mul3A = arith.mulf %sub3A, %sub3A : vector<1024x64xf32>
    %reduce_sum3A_26 = arith.constant dense<0.000000e+00> : vector<64xf32>
    %reduce_sum3A_27 = vector.multi_reduction <add>, %mul3A, %reduce_sum3A_26 [0] : vector<1024x64xf32> to vector<64xf32>
    %broadcast_in_dim3A_28 = vector.shape_cast %reduce_sum3A_27 : vector<64xf32> to vector<1x64xf32>
    %get3A_29 = arith.constant 0 : index
    %get3A_30 = arith.constant 0 : index
    %get3A_31 = vector.load %arg7[%get3A_29, %get3A_30] : memref<8x64xf32, #tpu.memory_space<vmem>>, vector<2x64xf32>
    %concatenate3A = tpu.concatenate %broadcast_in_dim3A_25, %broadcast_in_dim3A_28 in 0 : vector<1x64xf32>, vector<1x64xf32> -> vector<2x64xf32>
    %add3A_32 = arith.addf %get3A_31, %concatenate3A : vector<2x64xf32>
    %swap3A_33 = arith.constant 0 : index
    %swap3A_34 = arith.constant 0 : index
    %swap3A_35 = vector.load %arg7[%swap3A_33, %swap3A_34] : memref<8x64xf32, #tpu.memory_space<vmem>>, vector<2x64xf32>
    tpu.vector_store %arg7[%swap3A_33, %swap3A_34], %add3A_32 {strides = array<i32>} : memref<8x64xf32, #tpu.memory_space<vmem>>, vector<2x64xf32>,
    return
  }
  func.func @transform_0(%arg0: i32) -> (i32, i32) {
    %c0_i32 = arith.constant 0 : i32
    %c0_i32_0 = arith.constant 0 : i32
    return %arg0, %c0_i32 : i32, i32
  }
  func.func @transform_1(%arg0: i32) -> (i32, i32) {
    %c0_i32 = arith.constant 0 : i32
    %c0_i32_0 = arith.constant 0 : i32
    return %arg0, %c0_i32 : i32, i32
  }
  func.func @transform_2(%arg0: i32) -> (i32, i32) {
    %c0_i32 = arith.constant 0 : i32
    %c0_i32_0 = arith.constant 0 : i32
    %c0_i32_1 = arith.constant 0 : i32
    return %c0_i32, %c0_i32_0 : i32, i32
  }
  func.func @transform_3(%arg0: i32) -> (i32, i32) {
    %c0_i32 = arith.constant 0 : i32
    %c0_i32_0 = arith.constant 0 : i32
    %c0_i32_1 = arith.constant 0 : i32
    return %c0_i32, %c0_i32_0 : i32, i32
  }
  func.func @transform_4(%arg0: i32) -> (i32, i32) {
    %c0_i32 = arith.constant 0 : i32
    %c0_i32_0 = arith.constant 0 : i32
    %c0_i32_1 = arith.constant 0 : i32
    return %c0_i32, %c0_i32_0 : i32, i32
  }
  func.func @transform_5(%arg0: i32) -> (i32, i32) {
    %c0_i32 = arith.constant 0 : i32
    %c0_i32_0 = arith.constant 0 : i32
    return %arg0, %c0_i32 : i32, i32
  }
  func.func @transform_6(%arg0: i32) -> (i32, i32) {
    %c0_i32 = arith.constant 0 : i32
    %c0_i32_0 = arith.constant 0 : i32
    %c0_i32_1 = arith.constant 0 : i32
    return %c0_i32, %c0_i32_0 : i32, i32
  }
}

module attributes {stable_mosaic.version = 14 : i64} {
  func.func @_kx1_body(%arg0: i32, %arg1: memref<1024x64xf32, #tpu.memory_space<vmem>>, %arg2: memref<8x64xf32, #tpu.memory_space<vmem>>, %arg3: memref<1x64xf32, #tpu.memory_space<vmem>>, %arg4: memref<1x64xf32, #tpu.memory_space<vmem>>, %arg5: memref<1024x64xf32, #tpu.memory_space<vmem>>, %arg6: memref<64x64xf32, #tpu.memory_space<vmem>>, %arg7: memref<8x64xf32, #tpu.memory_space<vmem>>) attributes {dimension_semantics = [#tpu.dimension_semantics<arbitrary>], iteration_bounds = array<i64: 256>, scalar_prefetch = 0 : i64, scratch_operands = 0 : i64, tpu.core_type = #tpu.core_type<tc>, window_params = [{transform_indices = @transform_0, window_bounds = array<i64: 1024, 64>}, {pipeline_mode = #tpu.pipeline_mode<synchronous>, transform_indices = @transform_1, window_bounds = array<i64: 8, 64>}, {pipeline_mode = #tpu.pipeline_mode<synchronous>, transform_indices = @transform_2, window_bounds = array<i64: 1, 64>}, {pipeline_mode = #tpu.pipeline_mode<synchronous>, transform_indices = @transform_3, window_bounds = array<i64: 1, 64>}, {transform_indices = @transform_4, window_bounds = array<i64: 1024, 64>}, {pipeline_mode = #tpu.pipeline_mode<synchronous>, transform_indices = @transform_5, window_bounds = array<i64: 64, 64>}, {pipeline_mode = #tpu.pipeline_mode<synchronous>, transform_indices = @transform_6, window_bounds = array<i64: 8, 64>}]} {
    %get3A = arith.constant 0 : index
    %get3A_0 = arith.constant 0 : index
    %get3A_1 = vector.load %arg3[%get3A, %get3A_0] : memref<1x64xf32, #tpu.memory_space<vmem>>, vector<1x64xf32>
    %get3A_2 = arith.constant 0 : index
    %get3A_3 = arith.constant 0 : index
    %get3A_4 = vector.load %arg4[%get3A_2, %get3A_3] : memref<1x64xf32, #tpu.memory_space<vmem>>, vector<1x64xf32>
    %get3A_5 = arith.constant 0 : index
    %get3A_6 = arith.constant 0 : index
    %get3A_7 = vector.load %arg2[%get3A_5, %get3A_6] : memref<8x64xf32, #tpu.memory_space<vmem>>, vector<1x64xf32>
    %mul3A = arith.constant 3.81469727E-6 : f32
    %mul3A_8 = vector.broadcast %mul3A : f32 to vector<1x64xf32>
    %mul3A_9 = arith.mulf %get3A_7, %mul3A_8 : vector<1x64xf32>
    %get3A_10 = arith.constant 1 : index
    %get3A_11 = arith.constant 0 : index
    %get3A_12 = vector.load %arg2[%get3A_10, %get3A_11] : memref<8x64xf32, #tpu.memory_space<vmem>>, vector<1x64xf32>
    %mul3A_13 = arith.constant 3.81469727E-6 : f32
    %mul3A_14 = vector.broadcast %mul3A_13 : f32 to vector<1x64xf32>
    %mul3A_15 = arith.mulf %get3A_12, %mul3A_14 : vector<1x64xf32>
    %mul3A_16 = arith.mulf %mul3A_9, %mul3A_9 : vector<1x64xf32>
    %sub3A = arith.subf %mul3A_15, %mul3A_16 : vector<1x64xf32>
    %add3A = arith.constant 9.99999974E-6 : f32
    %add3A_17 = vector.broadcast %add3A : f32 to vector<1x64xf32>
    %add3A_18 = arith.addf %sub3A, %add3A_17 : vector<1x64xf32>
    %rsqrt3A = math.rsqrt %add3A_18 : vector<1x64xf32>
    %mul3A_19 = arith.mulf %get3A_1, %rsqrt3A : vector<1x64xf32>
    %mul3A_20 = arith.mulf %mul3A_9, %mul3A_19 : vector<1x64xf32>
    %sub3A_21 = arith.subf %get3A_4, %mul3A_20 : vector<1x64xf32>
    %get3A_22 = arith.constant 0 : index
    %get3A_23 = arith.constant 0 : index
    %get3A_24 = vector.load %arg1[%get3A_22, %get3A_23] : memref<1024x64xf32, #tpu.memory_space<vmem>>, vector<1024x64xf32>
    %mul3A_25 = vector.broadcast %mul3A_19 : vector<1x64xf32> to vector<1024x64xf32>
    %mul3A_26 = arith.mulf %get3A_24, %mul3A_25 : vector<1024x64xf32>
    %add3A_27 = vector.broadcast %sub3A_21 : vector<1x64xf32> to vector<1024x64xf32>
    %add3A_28 = arith.addf %mul3A_26, %add3A_27 : vector<1024x64xf32>
    %max3A = arith.constant 0.000000e+00 : f32
    %max3A_29 = vector.broadcast %max3A : f32 to vector<1024x64xf32>
    %max3A_30 = arith.maximumf %add3A_28, %max3A_29 : vector<1024x64xf32>
    %swap3A = arith.constant 0 : index
    %swap3A_31 = arith.constant 0 : index
    %swap3A_32 = vector.load %arg5[%swap3A, %swap3A_31] : memref<1024x64xf32, #tpu.memory_space<vmem>>, vector<1024x64xf32>
    tpu.vector_store %arg5[%swap3A, %swap3A_31], %max3A_30 {strides = array<i32>} : memref<1024x64xf32, #tpu.memory_space<vmem>>, vector<1024x64xf32>,
    %eq3A = arith.constant 0 : i32
    %eq3A_33 = arith.cmpi eq, %arg0, %eq3A : i32
    %convert_element_type3A = arith.extui %eq3A_33 : i1 to i32
    %cond3A = arith.constant 0 : i32
    %cond3A_34 = arith.cmpi ne, %convert_element_type3A, %cond3A : i32
    scf.if %cond3A_34 {
      %broadcast_in_dim3A_51 = arith.constant 0.000000e+00 : f32
      %broadcast_in_dim3A_52 = vector.broadcast %broadcast_in_dim3A_51 : f32 to vector<64x64xf32>
      %swap3A_53 = arith.constant 0 : index
      %swap3A_54 = arith.constant 0 : index
      %swap3A_55 = vector.load %arg6[%swap3A_53, %swap3A_54] : memref<64x64xf32, #tpu.memory_space<vmem>>, vector<64x64xf32>
      tpu.vector_store %arg6[%swap3A_53, %swap3A_54], %broadcast_in_dim3A_52 {strides = array<i32>} : memref<64x64xf32, #tpu.memory_space<vmem>>, vector<64x64xf32>,
      %broadcast_in_dim3A_56 = arith.constant 0.000000e+00 : f32
      %broadcast_in_dim3A_57 = vector.broadcast %broadcast_in_dim3A_56 : f32 to vector<8x64xf32>
      %swap3A_58 = arith.constant 0 : index
      %swap3A_59 = arith.constant 0 : index
      %swap3A_60 = vector.load %arg7[%swap3A_58, %swap3A_59] : memref<8x64xf32, #tpu.memory_space<vmem>>, vector<8x64xf32>
      tpu.vector_store %arg7[%swap3A_58, %swap3A_59], %broadcast_in_dim3A_57 {strides = array<i32>} : memref<8x64xf32, #tpu.memory_space<vmem>>, vector<8x64xf32>,
    } else {
    }
    %dot_general3A = arith.constant dense<0.000000e+00> : vector<64x64xf32>
    %dot_general3A_35 = tpu.matmul %max3A_30, %max3A_30, %dot_general3A {dimension_numbers = #tpu.dot_dimension_numbers<[0], [0], [1], [1], [0, 1, 1, 1], [], []>, transpose_lhs_hint = false} : vector<1024x64xf32>, vector<1024x64xf32>, vector<64x64xf32> -> vector<64x64xf32>
    %get3A_36 = arith.constant 0 : index
    %get3A_37 = arith.constant 0 : index
    %get3A_38 = vector.load %arg6[%get3A_36, %get3A_37] : memref<64x64xf32, #tpu.memory_space<vmem>>, vector<64x64xf32>
    %add3A_39 = arith.addf %get3A_38, %dot_general3A_35 : vector<64x64xf32>
    %swap3A_40 = arith.constant 0 : index
    %swap3A_41 = arith.constant 0 : index
    %swap3A_42 = vector.load %arg6[%swap3A_40, %swap3A_41] : memref<64x64xf32, #tpu.memory_space<vmem>>, vector<64x64xf32>
    tpu.vector_store %arg6[%swap3A_40, %swap3A_41], %add3A_39 {strides = array<i32>} : memref<64x64xf32, #tpu.memory_space<vmem>>, vector<64x64xf32>,
    %get3A_43 = arith.constant 0 : index
    %get3A_44 = arith.constant 0 : index
    %get3A_45 = vector.load %arg7[%get3A_43, %get3A_44] : memref<8x64xf32, #tpu.memory_space<vmem>>, vector<1x64xf32>
    %reduce_sum3A = arith.constant dense<0.000000e+00> : vector<64xf32>
    %reduce_sum3A_46 = vector.multi_reduction <add>, %max3A_30, %reduce_sum3A [0] : vector<1024x64xf32> to vector<64xf32>
    %broadcast_in_dim3A = vector.shape_cast %reduce_sum3A_46 : vector<64xf32> to vector<1x64xf32>
    %add3A_47 = arith.addf %get3A_45, %broadcast_in_dim3A : vector<1x64xf32>
    %swap3A_48 = arith.constant 0 : index
    %swap3A_49 = arith.constant 0 : index
    %swap3A_50 = vector.load %arg7[%swap3A_48, %swap3A_49] : memref<8x64xf32, #tpu.memory_space<vmem>>, vector<1x64xf32>
    tpu.vector_store %arg7[%swap3A_48, %swap3A_49], %add3A_47 {strides = array<i32>} : memref<8x64xf32, #tpu.memory_space<vmem>>, vector<1x64xf32>,
    return
  }
  func.func @transform_0(%arg0: i32) -> (i32, i32) {
    %c0_i32 = arith.constant 0 : i32
    %c0_i32_0 = arith.constant 0 : i32
    return %arg0, %c0_i32 : i32, i32
  }
  func.func @transform_1(%arg0: i32) -> (i32, i32) {
    %c0_i32 = arith.constant 0 : i32
    %c0_i32_0 = arith.constant 0 : i32
    %c0_i32_1 = arith.constant 0 : i32
    return %c0_i32, %c0_i32_0 : i32, i32
  }
  func.func @transform_2(%arg0: i32) -> (i32, i32) {
    %c0_i32 = arith.constant 0 : i32
    %c0_i32_0 = arith.constant 0 : i32
    %c0_i32_1 = arith.constant 0 : i32
    return %c0_i32, %c0_i32_0 : i32, i32
  }
  func.func @transform_3(%arg0: i32) -> (i32, i32) {
    %c0_i32 = arith.constant 0 : i32
    %c0_i32_0 = arith.constant 0 : i32
    %c0_i32_1 = arith.constant 0 : i32
    return %c0_i32, %c0_i32_0 : i32, i32
  }
  func.func @transform_4(%arg0: i32) -> (i32, i32) {
    %c0_i32 = arith.constant 0 : i32
    %c0_i32_0 = arith.constant 0 : i32
    return %arg0, %c0_i32 : i32, i32
  }
  func.func @transform_5(%arg0: i32) -> (i32, i32) {
    %c0_i32 = arith.constant 0 : i32
    %c0_i32_0 = arith.constant 0 : i32
    %c0_i32_1 = arith.constant 0 : i32
    return %c0_i32, %c0_i32_0 : i32, i32
  }
  func.func @transform_6(%arg0: i32) -> (i32, i32) {
    %c0_i32 = arith.constant 0 : i32
    %c0_i32_0 = arith.constant 0 : i32
    %c0_i32_1 = arith.constant 0 : i32
    return %c0_i32, %c0_i32_0 : i32, i32
  }
}

module attributes {stable_mosaic.version = 14 : i64} {
  func.func @_kx2_body(%arg0: i32, %arg1: memref<1024x64xf32, #tpu.memory_space<vmem>>, %arg2: memref<64x64xf32, #tpu.memory_space<vmem>>, %arg3: memref<8x64xf32, #tpu.memory_space<vmem>>, %arg4: memref<1x128xf32, #tpu.memory_space<vmem>>, %arg5: memref<1x128xf32, #tpu.memory_space<vmem>>, %arg6: memref<64x128xf32, #tpu.memory_space<vmem>>, %arg7: memref<1x128xf32, #tpu.memory_space<vmem>>, %arg8: memref<1024x128xf32, #tpu.memory_space<vmem>>, %arg9: memref<128x128xf32, #tpu.memory_space<vmem>>, %arg10: memref<8x128xf32, #tpu.memory_space<vmem>>) attributes {dimension_semantics = [#tpu.dimension_semantics<arbitrary>], iteration_bounds = array<i64: 256>, scalar_prefetch = 0 : i64, scratch_operands = 0 : i64, tpu.core_type = #tpu.core_type<tc>, window_params = [{transform_indices = @transform_0, window_bounds = array<i64: 1024, 64>}, {pipeline_mode = #tpu.pipeline_mode<synchronous>, transform_indices = @transform_1, window_bounds = array<i64: 64, 64>}, {pipeline_mode = #tpu.pipeline_mode<synchronous>, transform_indices = @transform_2, window_bounds = array<i64: 8, 64>}, {pipeline_mode = #tpu.pipeline_mode<synchronous>, transform_indices = @transform_3, window_bounds = array<i64: 1, 128>}, {pipeline_mode = #tpu.pipeline_mode<synchronous>, transform_indices = @transform_4, window_bounds = array<i64: 1, 128>}, {pipeline_mode = #tpu.pipeline_mode<synchronous>, transform_indices = @transform_5, window_bounds = array<i64: 64, 128>}, {pipeline_mode = #tpu.pipeline_mode<synchronous>, transform_indices = @transform_6, window_bounds = array<i64: 1, 128>}, {transform_indices = @transform_7, window_bounds = array<i64: 1024, 128>}, {pipeline_mode = #tpu.pipeline_mode<synchronous>, transform_indices = @transform_8, window_bounds = array<i64: 128, 128>}, {pipeline_mode = #tpu.pipeline_mode<synchronous>, transform_indices = @transform_9, window_bounds = array<i64: 8, 128>}]} {
    %get3A = arith.constant 0 : index
    %get3A_0 = arith.constant 0 : index
    %get3A_1 = vector.load %arg6[%get3A, %get3A_0] : memref<64x128xf32, #tpu.memory_space<vmem>>, vector<64x128xf32>
    %get3A_2 = arith.constant 0 : index
    %get3A_3 = arith.constant 0 : index
    %get3A_4 = vector.load %arg7[%get3A_2, %get3A_3] : memref<1x128xf32, #tpu.memory_space<vmem>>, vector<1x128xf32>
    %get3A_5 = arith.constant 0 : index
    %get3A_6 = arith.constant 0 : index
    %get3A_7 = vector.load %arg2[%get3A_5, %get3A_6] : memref<64x64xf32, #tpu.memory_space<vmem>>, vector<64x64xf32>
    %get3A_8 = arith.constant 0 : index
    %get3A_9 = arith.constant 0 : index
    %get3A_10 = vector.load %arg3[%get3A_8, %get3A_9] : memref<8x64xf32, #tpu.memory_space<vmem>>, vector<1x64xf32>
    %get3A_11 = arith.constant 0 : index
    %get3A_12 = arith.constant 0 : index
    %get3A_13 = vector.load %arg4[%get3A_11, %get3A_12] : memref<1x128xf32, #tpu.memory_space<vmem>>, vector<1x128xf32>
    %get3A_14 = arith.constant 0 : index
    %get3A_15 = arith.constant 0 : index
    %get3A_16 = vector.load %arg5[%get3A_14, %get3A_15] : memref<1x128xf32, #tpu.memory_space<vmem>>, vector<1x128xf32>
    %dot_general3A = arith.constant dense<0.000000e+00> : vector<1x128xf32>
    %dot_general3A_17 = tpu.matmul %get3A_10, %get3A_1, %dot_general3A {dimension_numbers = #tpu.dot_dimension_numbers<[1], [0], [0], [1], [0, 0, 1, 1], [], []>, transpose_lhs_hint = false} : vector<1x64xf32>, vector<64x128xf32>, vector<1x128xf32> -> vector<1x128xf32>
    %dot_general3A_18 = arith.constant dense<0.000000e+00> : vector<64x128xf32>
    %dot_general3A_19 = tpu.matmul %get3A_7, %get3A_1, %dot_general3A_18 {dimension_numbers = #tpu.dot_dimension_numbers<[1], [0], [0], [1], [0, 0, 1, 1], [], []>, transpose_lhs_hint = false} : vector<64x64xf32>, vector<64x128xf32>, vector<64x128xf32> -> vector<64x128xf32>
    %mul3A = arith.mulf %get3A_1, %dot_general3A_19 : vector<64x128xf32>
    %reduce_sum3A = arith.constant dense<0.000000e+00> : vector<128xf32>
    %reduce_sum3A_20 = vector.multi_reduction <add>, %mul3A, %reduce_sum3A [0] : vector<64x128xf32> to vector<128xf32>
    %broadcast_in_dim3A = vector.shape_cast %reduce_sum3A_20 : vector<128xf32> to vector<1x128xf32>
    %mul3A_21 = arith.constant 2.621440e+05 : f32
    %mul3A_22 = vector.broadcast %mul3A_21 : f32 to vector<1x128xf32>
    %mul3A_23 = arith.mulf %mul3A_22, %get3A_4 : vector<1x128xf32>
    %add3A = arith.addf %dot_general3A_17, %mul3A_23 : vector<1x128xf32>
    %mul3A_24 = arith.constant 2.000000e+00 : f32
    %mul3A_25 = vector.broadcast %mul3A_24 : f32 to vector<1x128xf32>
    %mul3A_26 = arith.mulf %mul3A_25, %get3A_4 : vector<1x128xf32>
    %mul3A_27 = arith.mulf %mul3A_26, %dot_general3A_17 : vector<1x128xf32>
    %add3A_28 = arith.addf %broadcast_in_dim3A, %mul3A_27 : vector<1x128xf32>
    %mul3A_29 = arith.constant 2.621440e+05 : f32
    %mul3A_30 = vector.broadcast %mul3A_29 : f32 to vector<1x128xf32>
    %mul3A_31 = arith.mulf %mul3A_30, %get3A_4 : vector<1x128xf32>
    %mul3A_32 = arith.mulf %mul3A_31, %get3A_4 : vector<1x128xf32>
    %add3A_33 = arith.addf %add3A_28, %mul3A_32 : vector<1x128xf32>
    %mul3A_34 = arith.constant 3.81469727E-6 : f32
    %mul3A_35 = vector.broadcast %mul3A_34 : f32 to vector<1x128xf32>
    %mul3A_36 = arith.mulf %add3A, %mul3A_35 : vector<1x128xf32>
    %mul3A_37 = arith.constant 3.81469727E-6 : f32
    %mul3A_38 = vector.broadcast %mul3A_37 : f32 to vector<1x128xf32>
    %mul3A_39 = arith.mulf %add3A_33, %mul3A_38 : vector<1x128xf32>
    %mul3A_40 = arith.mulf %mul3A_36, %mul3A_36 : vector<1x128xf32>
    %sub3A = arith.subf %mul3A_39, %mul3A_40 : vector<1x128xf32>
    %add3A_41 = arith.constant 9.99999974E-6 : f32
    %add3A_42 = vector.broadcast %add3A_41 : f32 to vector<1x128xf32>
    %add3A_43 = arith.addf %sub3A, %add3A_42 : vector<1x128xf32>
    %rsqrt3A = math.rsqrt %add3A_43 : vector<1x128xf32>
    %mul3A_44 = arith.mulf %get3A_13, %rsqrt3A : vector<1x128xf32>
    %mul3A_45 = arith.mulf %mul3A_36, %mul3A_44 : vector<1x128xf32>
    %sub3A_46 = arith.subf %get3A_16, %mul3A_45 : vector<1x128xf32>
    %get3A_47 = arith.constant 0 : index
    %get3A_48 = arith.constant 0 : index
    %get3A_49 = vector.load %arg1[%get3A_47, %get3A_48] : memref<1024x64xf32, #tpu.memory_space<vmem>>, vector<1024x64xf32>
    %dot_general3A_50 = arith.constant dense<0.000000e+00> : vector<1024x128xf32>
    %dot_general3A_51 = tpu.matmul %get3A_49, %get3A_1, %dot_general3A_50 {dimension_numbers = #tpu.dot_dimension_numbers<[1], [0], [0], [1], [0, 0, 1, 1], [], []>, transpose_lhs_hint = false} : vector<1024x64xf32>, vector<64x128xf32>, vector<1024x128xf32> -> vector<1024x128xf32>
    %add3A_52 = vector.broadcast %get3A_4 : vector<1x128xf32> to vector<1024x128xf32>
    %add3A_53 = arith.addf %dot_general3A_51, %add3A_52 : vector<1024x128xf32>
    %mul3A_54 = vector.broadcast %mul3A_44 : vector<1x128xf32> to vector<1024x128xf32>
    %mul3A_55 = arith.mulf %add3A_53, %mul3A_54 : vector<1024x128xf32>
    %add3A_56 = vector.broadcast %sub3A_46 : vector<1x128xf32> to vector<1024x128xf32>
    %add3A_57 = arith.addf %mul3A_55, %add3A_56 : vector<1024x128xf32>
    %max3A = arith.constant 0.000000e+00 : f32
    %max3A_58 = vector.broadcast %max3A : f32 to vector<1024x128xf32>
    %max3A_59 = arith.maximumf %add3A_57, %max3A_58 : vector<1024x128xf32>
    %swap3A = arith.constant 0 : index
    %swap3A_60 = arith.constant 0 : index
    %swap3A_61 = vector.load %arg8[%swap3A, %swap3A_60] : memref<1024x128xf32, #tpu.memory_space<vmem>>, vector<1024x128xf32>
    tpu.vector_store %arg8[%swap3A, %swap3A_60], %max3A_59 {strides = array<i32>} : memref<1024x128xf32, #tpu.memory_space<vmem>>, vector<1024x128xf32>,
    %eq3A = arith.constant 0 : i32
    %eq3A_62 = arith.cmpi eq, %arg0, %eq3A : i32
    %convert_element_type3A = arith.extui %eq3A_62 : i1 to i32
    %cond3A = arith.constant 0 : i32
    %cond3A_63 = arith.cmpi ne, %convert_element_type3A, %cond3A : i32
    scf.if %cond3A_63 {
      %broadcast_in_dim3A_83 = arith.constant 0.000000e+00 : f32
      %broadcast_in_dim3A_84 = vector.broadcast %broadcast_in_dim3A_83 : f32 to vector<128x128xf32>
      %swap3A_85 = arith.constant 0 : index
      %swap3A_86 = arith.constant 0 : index
      %swap3A_87 = vector.load %arg9[%swap3A_85, %swap3A_86] : memref<128x128xf32, #tpu.memory_space<vmem>>, vector<128x128xf32>
      tpu.vector_store %arg9[%swap3A_85, %swap3A_86], %broadcast_in_dim3A_84 {strides = array<i32>} : memref<128x128xf32, #tpu.memory_space<vmem>>, vector<128x128xf32>,
      %broadcast_in_dim3A_88 = arith.constant 0.000000e+00 : f32
      %broadcast_in_dim3A_89 = vector.broadcast %broadcast_in_dim3A_88 : f32 to vector<8x128xf32>
      %swap3A_90 = arith.constant 0 : index
      %swap3A_91 = arith.constant 0 : index
      %swap3A_92 = vector.load %arg10[%swap3A_90, %swap3A_91] : memref<8x128xf32, #tpu.memory_space<vmem>>, vector<8x128xf32>
      tpu.vector_store %arg10[%swap3A_90, %swap3A_91], %broadcast_in_dim3A_89 {strides = array<i32>} : memref<8x128xf32, #tpu.memory_space<vmem>>, vector<8x128xf32>,
    } else {
    }
    %dot_general3A_64 = arith.constant dense<0.000000e+00> : vector<128x128xf32>
    %dot_general3A_65 = tpu.matmul %max3A_59, %max3A_59, %dot_general3A_64 {dimension_numbers = #tpu.dot_dimension_numbers<[0], [0], [1], [1], [0, 1, 1, 1], [], []>, transpose_lhs_hint = false} : vector<1024x128xf32>, vector<1024x128xf32>, vector<128x128xf32> -> vector<128x128xf32>
    %get3A_66 = arith.constant 0 : index
    %get3A_67 = arith.constant 0 : index
    %get3A_68 = vector.load %arg9[%get3A_66, %get3A_67] : memref<128x128xf32, #tpu.memory_space<vmem>>, vector<128x128xf32>
    %add3A_69 = arith.addf %get3A_68, %dot_general3A_65 : vector<128x128xf32>
    %swap3A_70 = arith.constant 0 : index
    %swap3A_71 = arith.constant 0 : index
    %swap3A_72 = vector.load %arg9[%swap3A_70, %swap3A_71] : memref<128x128xf32, #tpu.memory_space<vmem>>, vector<128x128xf32>
    tpu.vector_store %arg9[%swap3A_70, %swap3A_71], %add3A_69 {strides = array<i32>} : memref<128x128xf32, #tpu.memory_space<vmem>>, vector<128x128xf32>,
    %get3A_73 = arith.constant 0 : index
    %get3A_74 = arith.constant 0 : index
    %get3A_75 = vector.load %arg10[%get3A_73, %get3A_74] : memref<8x128xf32, #tpu.memory_space<vmem>>, vector<1x128xf32>
    %reduce_sum3A_76 = arith.constant dense<0.000000e+00> : vector<128xf32>
    %reduce_sum3A_77 = vector.multi_reduction <add>, %max3A_59, %reduce_sum3A_76 [0] : vector<1024x128xf32> to vector<128xf32>
    %broadcast_in_dim3A_78 = vector.shape_cast %reduce_sum3A_77 : vector<128xf32> to vector<1x128xf32>
    %add3A_79 = arith.addf %get3A_75, %broadcast_in_dim3A_78 : vector<1x128xf32>
    %swap3A_80 = arith.constant 0 : index
    %swap3A_81 = arith.constant 0 : index
    %swap3A_82 = vector.load %arg10[%swap3A_80, %swap3A_81] : memref<8x128xf32, #tpu.memory_space<vmem>>, vector<1x128xf32>
    tpu.vector_store %arg10[%swap3A_80, %swap3A_81], %add3A_79 {strides = array<i32>} : memref<8x128xf32, #tpu.memory_space<vmem>>, vector<1x128xf32>,
    return
  }
  func.func @transform_0(%arg0: i32) -> (i32, i32) {
    %c0_i32 = arith.constant 0 : i32
    %c0_i32_0 = arith.constant 0 : i32
    return %arg0, %c0_i32 : i32, i32
  }
  func.func @transform_1(%arg0: i32) -> (i32, i32) {
    %c0_i32 = arith.constant 0 : i32
    %c0_i32_0 = arith.constant 0 : i32
    %c0_i32_1 = arith.constant 0 : i32
    return %c0_i32, %c0_i32_0 : i32, i32
  }
  func.func @transform_2(%arg0: i32) -> (i32, i32) {
    %c0_i32 = arith.constant 0 : i32
    %c0_i32_0 = arith.constant 0 : i32
    %c0_i32_1 = arith.constant 0 : i32
    return %c0_i32, %c0_i32_0 : i32, i32
  }
  func.func @transform_3(%arg0: i32) -> (i32, i32) {
    %c0_i32 = arith.constant 0 : i32
    %c0_i32_0 = arith.constant 0 : i32
    %c0_i32_1 = arith.constant 0 : i32
    return %c0_i32, %c0_i32_0 : i32, i32
  }
  func.func @transform_4(%arg0: i32) -> (i32, i32) {
    %c0_i32 = arith.constant 0 : i32
    %c0_i32_0 = arith.constant 0 : i32
    %c0_i32_1 = arith.constant 0 : i32
    return %c0_i32, %c0_i32_0 : i32, i32
  }
  func.func @transform_5(%arg0: i32) -> (i32, i32) {
    %c0_i32 = arith.constant 0 : i32
    %c0_i32_0 = arith.constant 0 : i32
    %c0_i32_1 = arith.constant 0 : i32
    return %c0_i32, %c0_i32_0 : i32, i32
  }
  func.func @transform_6(%arg0: i32) -> (i32, i32) {
    %c0_i32 = arith.constant 0 : i32
    %c0_i32_0 = arith.constant 0 : i32
    %c0_i32_1 = arith.constant 0 : i32
    return %c0_i32, %c0_i32_0 : i32, i32
  }
  func.func @transform_7(%arg0: i32) -> (i32, i32) {
    %c0_i32 = arith.constant 0 : i32
    %c0_i32_0 = arith.constant 0 : i32
    return %arg0, %c0_i32 : i32, i32
  }
  func.func @transform_8(%arg0: i32) -> (i32, i32) {
    %c0_i32 = arith.constant 0 : i32
    %c0_i32_0 = arith.constant 0 : i32
    %c0_i32_1 = arith.constant 0 : i32
    return %c0_i32, %c0_i32_0 : i32, i32
  }
  func.func @transform_9(%arg0: i32) -> (i32, i32) {
    %c0_i32 = arith.constant 0 : i32
    %c0_i32_0 = arith.constant 0 : i32
    %c0_i32_1 = arith.constant 0 : i32
    return %c0_i32, %c0_i32_0 : i32, i32
  }
}

module attributes {stable_mosaic.version = 14 : i64} {
  func.func @_kx3_body(%arg0: i32, %arg1: memref<1024x128xf32, #tpu.memory_space<vmem>>, %arg2: memref<128x128xf32, #tpu.memory_space<vmem>>, %arg3: memref<8x128xf32, #tpu.memory_space<vmem>>, %arg4: memref<1x256xf32, #tpu.memory_space<vmem>>, %arg5: memref<1x256xf32, #tpu.memory_space<vmem>>, %arg6: memref<128x256xf32, #tpu.memory_space<vmem>>, %arg7: memref<1x256xf32, #tpu.memory_space<vmem>>, %arg8: memref<32x256xf32, #tpu.memory_space<vmem>>) attributes {dimension_semantics = [#tpu.dimension_semantics<arbitrary>], iteration_bounds = array<i64: 256>, scalar_prefetch = 0 : i64, scratch_operands = 0 : i64, tpu.core_type = #tpu.core_type<tc>, window_params = [{transform_indices = @transform_0, window_bounds = array<i64: 1024, 128>}, {pipeline_mode = #tpu.pipeline_mode<synchronous>, transform_indices = @transform_1, window_bounds = array<i64: 128, 128>}, {pipeline_mode = #tpu.pipeline_mode<synchronous>, transform_indices = @transform_2, window_bounds = array<i64: 8, 128>}, {pipeline_mode = #tpu.pipeline_mode<synchronous>, transform_indices = @transform_3, window_bounds = array<i64: 1, 256>}, {pipeline_mode = #tpu.pipeline_mode<synchronous>, transform_indices = @transform_4, window_bounds = array<i64: 1, 256>}, {pipeline_mode = #tpu.pipeline_mode<synchronous>, transform_indices = @transform_5, window_bounds = array<i64: 128, 256>}, {pipeline_mode = #tpu.pipeline_mode<synchronous>, transform_indices = @transform_6, window_bounds = array<i64: 1, 256>}, {transform_indices = @transform_7, window_bounds = array<i64: 32, 256>}]} {
    %get3A = arith.constant 0 : index
    %get3A_0 = arith.constant 0 : index
    %get3A_1 = vector.load %arg6[%get3A, %get3A_0] : memref<128x256xf32, #tpu.memory_space<vmem>>, vector<128x256xf32>
    %get3A_2 = arith.constant 0 : index
    %get3A_3 = arith.constant 0 : index
    %get3A_4 = vector.load %arg7[%get3A_2, %get3A_3] : memref<1x256xf32, #tpu.memory_space<vmem>>, vector<1x256xf32>
    %get3A_5 = arith.constant 0 : index
    %get3A_6 = arith.constant 0 : index
    %get3A_7 = vector.load %arg2[%get3A_5, %get3A_6] : memref<128x128xf32, #tpu.memory_space<vmem>>, vector<128x128xf32>
    %get3A_8 = arith.constant 0 : index
    %get3A_9 = arith.constant 0 : index
    %get3A_10 = vector.load %arg3[%get3A_8, %get3A_9] : memref<8x128xf32, #tpu.memory_space<vmem>>, vector<1x128xf32>
    %get3A_11 = arith.constant 0 : index
    %get3A_12 = arith.constant 0 : index
    %get3A_13 = vector.load %arg4[%get3A_11, %get3A_12] : memref<1x256xf32, #tpu.memory_space<vmem>>, vector<1x256xf32>
    %get3A_14 = arith.constant 0 : index
    %get3A_15 = arith.constant 0 : index
    %get3A_16 = vector.load %arg5[%get3A_14, %get3A_15] : memref<1x256xf32, #tpu.memory_space<vmem>>, vector<1x256xf32>
    %dot_general3A = arith.constant dense<0.000000e+00> : vector<1x256xf32>
    %dot_general3A_17 = tpu.matmul %get3A_10, %get3A_1, %dot_general3A {dimension_numbers = #tpu.dot_dimension_numbers<[1], [0], [0], [1], [0, 0, 1, 1], [], []>, transpose_lhs_hint = false} : vector<1x128xf32>, vector<128x256xf32>, vector<1x256xf32> -> vector<1x256xf32>
    %dot_general3A_18 = arith.constant dense<0.000000e+00> : vector<128x256xf32>
    %dot_general3A_19 = tpu.matmul %get3A_7, %get3A_1, %dot_general3A_18 {dimension_numbers = #tpu.dot_dimension_numbers<[1], [0], [0], [1], [0, 0, 1, 1], [], []>, transpose_lhs_hint = false} : vector<128x128xf32>, vector<128x256xf32>, vector<128x256xf32> -> vector<128x256xf32>
    %mul3A = arith.mulf %get3A_1, %dot_general3A_19 : vector<128x256xf32>
    %reduce_sum3A = arith.constant dense<0.000000e+00> : vector<256xf32>
    %reduce_sum3A_20 = vector.multi_reduction <add>, %mul3A, %reduce_sum3A [0] : vector<128x256xf32> to vector<256xf32>
    %broadcast_in_dim3A = vector.shape_cast %reduce_sum3A_20 : vector<256xf32> to vector<1x256xf32>
    %mul3A_21 = arith.constant 2.621440e+05 : f32
    %mul3A_22 = vector.broadcast %mul3A_21 : f32 to vector<1x256xf32>
    %mul3A_23 = arith.mulf %mul3A_22, %get3A_4 : vector<1x256xf32>
    %add3A = arith.addf %dot_general3A_17, %mul3A_23 : vector<1x256xf32>
    %mul3A_24 = arith.constant 2.000000e+00 : f32
    %mul3A_25 = vector.broadcast %mul3A_24 : f32 to vector<1x256xf32>
    %mul3A_26 = arith.mulf %mul3A_25, %get3A_4 : vector<1x256xf32>
    %mul3A_27 = arith.mulf %mul3A_26, %dot_general3A_17 : vector<1x256xf32>
    %add3A_28 = arith.addf %broadcast_in_dim3A, %mul3A_27 : vector<1x256xf32>
    %mul3A_29 = arith.constant 2.621440e+05 : f32
    %mul3A_30 = vector.broadcast %mul3A_29 : f32 to vector<1x256xf32>
    %mul3A_31 = arith.mulf %mul3A_30, %get3A_4 : vector<1x256xf32>
    %mul3A_32 = arith.mulf %mul3A_31, %get3A_4 : vector<1x256xf32>
    %add3A_33 = arith.addf %add3A_28, %mul3A_32 : vector<1x256xf32>
    %mul3A_34 = arith.constant 3.81469727E-6 : f32
    %mul3A_35 = vector.broadcast %mul3A_34 : f32 to vector<1x256xf32>
    %mul3A_36 = arith.mulf %add3A, %mul3A_35 : vector<1x256xf32>
    %mul3A_37 = arith.constant 3.81469727E-6 : f32
    %mul3A_38 = vector.broadcast %mul3A_37 : f32 to vector<1x256xf32>
    %mul3A_39 = arith.mulf %add3A_33, %mul3A_38 : vector<1x256xf32>
    %mul3A_40 = arith.mulf %mul3A_36, %mul3A_36 : vector<1x256xf32>
    %sub3A = arith.subf %mul3A_39, %mul3A_40 : vector<1x256xf32>
    %add3A_41 = arith.constant 9.99999974E-6 : f32
    %add3A_42 = vector.broadcast %add3A_41 : f32 to vector<1x256xf32>
    %add3A_43 = arith.addf %sub3A, %add3A_42 : vector<1x256xf32>
    %rsqrt3A = math.rsqrt %add3A_43 : vector<1x256xf32>
    %mul3A_44 = arith.mulf %get3A_13, %rsqrt3A : vector<1x256xf32>
    %mul3A_45 = arith.mulf %mul3A_36, %mul3A_44 : vector<1x256xf32>
    %sub3A_46 = arith.subf %get3A_16, %mul3A_45 : vector<1x256xf32>
    %get3A_47 = arith.constant 0 : index
    %get3A_48 = arith.constant 0 : index
    %get3A_49 = vector.load %arg1[%get3A_47, %get3A_48] : memref<1024x128xf32, #tpu.memory_space<vmem>>, vector<1024x128xf32>
    %dot_general3A_50 = arith.constant dense<0.000000e+00> : vector<1024x256xf32>
    %dot_general3A_51 = tpu.matmul %get3A_49, %get3A_1, %dot_general3A_50 {dimension_numbers = #tpu.dot_dimension_numbers<[1], [0], [0], [1], [0, 0, 1, 1], [], []>, transpose_lhs_hint = false} : vector<1024x128xf32>, vector<128x256xf32>, vector<1024x256xf32> -> vector<1024x256xf32>
    %add3A_52 = vector.broadcast %get3A_4 : vector<1x256xf32> to vector<1024x256xf32>
    %add3A_53 = arith.addf %dot_general3A_51, %add3A_52 : vector<1024x256xf32>
    %mul3A_54 = vector.broadcast %mul3A_44 : vector<1x256xf32> to vector<1024x256xf32>
    %mul3A_55 = arith.mulf %add3A_53, %mul3A_54 : vector<1024x256xf32>
    %add3A_56 = vector.broadcast %sub3A_46 : vector<1x256xf32> to vector<1024x256xf32>
    %add3A_57 = arith.addf %mul3A_55, %add3A_56 : vector<1024x256xf32>
    %max3A = arith.constant 0.000000e+00 : f32
    %max3A_58 = vector.broadcast %max3A : f32 to vector<1024x256xf32>
    %max3A_59 = arith.maximumf %add3A_57, %max3A_58 : vector<1024x256xf32>
    %reshape3A = vector.shape_cast %max3A_59 : vector<1024x256xf32> to vector<32x32x256xf32>
    %reduce_max3A = arith.constant dense<0xFF800000> : vector<32x256xf32>
    %reduce_max3A_60 = vector.multi_reduction <maximumf>, %reshape3A, %reduce_max3A [1] : vector<32x32x256xf32> to vector<32x256xf32>
    %swap3A = arith.constant 0 : index
    %swap3A_61 = arith.constant 0 : index
    %swap3A_62 = vector.load %arg8[%swap3A, %swap3A_61] : memref<32x256xf32, #tpu.memory_space<vmem>>, vector<32x256xf32>
    tpu.vector_store %arg8[%swap3A, %swap3A_61], %reduce_max3A_60 {strides = array<i32>} : memref<32x256xf32, #tpu.memory_space<vmem>>, vector<32x256xf32>,
    return
  }
  func.func @transform_0(%arg0: i32) -> (i32, i32) {
    %c0_i32 = arith.constant 0 : i32
    %c0_i32_0 = arith.constant 0 : i32
    return %arg0, %c0_i32 : i32, i32
  }
  func.func @transform_1(%arg0: i32) -> (i32, i32) {
    %c0_i32 = arith.constant 0 : i32
    %c0_i32_0 = arith.constant 0 : i32
    %c0_i32_1 = arith.constant 0 : i32
    return %c0_i32, %c0_i32_0 : i32, i32
  }
  func.func @transform_2(%arg0: i32) -> (i32, i32) {
    %c0_i32 = arith.constant 0 : i32
    %c0_i32_0 = arith.constant 0 : i32
    %c0_i32_1 = arith.constant 0 : i32
    return %c0_i32, %c0_i32_0 : i32, i32
  }
  func.func @transform_3(%arg0: i32) -> (i32, i32) {
    %c0_i32 = arith.constant 0 : i32
    %c0_i32_0 = arith.constant 0 : i32
    %c0_i32_1 = arith.constant 0 : i32
    return %c0_i32, %c0_i32_0 : i32, i32
  }
  func.func @transform_4(%arg0: i32) -> (i32, i32) {
    %c0_i32 = arith.constant 0 : i32
    %c0_i32_0 = arith.constant 0 : i32
    %c0_i32_1 = arith.constant 0 : i32
    return %c0_i32, %c0_i32_0 : i32, i32
  }
  func.func @transform_5(%arg0: i32) -> (i32, i32) {
    %c0_i32 = arith.constant 0 : i32
    %c0_i32_0 = arith.constant 0 : i32
    %c0_i32_1 = arith.constant 0 : i32
    return %c0_i32, %c0_i32_0 : i32, i32
  }
  func.func @transform_6(%arg0: i32) -> (i32, i32) {
    %c0_i32 = arith.constant 0 : i32
    %c0_i32_0 = arith.constant 0 : i32
    %c0_i32_1 = arith.constant 0 : i32
    return %c0_i32, %c0_i32_0 : i32, i32
  }
  func.func @transform_7(%arg0: i32) -> (i32, i32) {
    %c0_i32 = arith.constant 0 : i32
    %c0_i32_0 = arith.constant 0 : i32
    return %arg0, %c0_i32 : i32, i32
  }
}

</mosaic_0001>

<sc_bundles>
// kernel: kernel.9.cloned.1.call-start
scs
__scs_entry_jumppad:
0x0: {  	(pc) =	sbr.rel $0x88, $3  }
0x1: {  	(tag) =	ssettag $0x0;
	lr =	simm.s32 $0x1  }
0x2: {  	[smem:$0x3F93] =	sst lr;
	_ =	strace $0xD0000000  }
0x3: {  	_ = 	snop  }
0x4: {  	_ = 	snop  }
0x5: {  	_ = 	snop  }
0x6: {  	_ = 	snop  }
0x7: {  	_ = 	snop  }
__scs_overlays_trampoline_lowered:
0x8: {  	[smem:$0x3FA2] =	sst s0  }
0x9: {  	[smem:$0x3FA3] =	sst s1  }
0xa: {  	[smem:$0x3FA4] =	sst s2  }
0xb: {  	[smem:$0x3FA5] =	sst s3  }
0xc: {  	[smem:$0x3FA6] =	sst s4  }
0xd: {  	[smem:$0x3FA7] =	sst s5  }
0xe: {  	[smem:$0x3FA8] =	sst s6  }
0xf: {  	[smem:$0x3FA9] =	sst s7  }
0x10: {  	[smem:$0x3FAA] =	sst s8  }
0x11: {  	[smem:$0x3FAB] =	sst s9;
	s0 =	simm.s32 @!p0 $0x0  }
0x12: {  	s1 =	sld [smem:$0x3F91];
	s0 =	simm.s32 @p0 $0x1  }
0x13: {  	[smem:$0x3FAC] =	sst s0;
	s0 =	simm.s32 @!p1 $0x0  }
0x14: {  	s2 =	sld [smem:$0x3F90];
	s0 =	simm.s32 @p1 $0x1  }
0x15: {  	[smem:$0x3FAD] =	sst s0;
	s0 =	simm.s32 @!p2 $0x0  }
0x16: {  	s3 =	sld [smem:$0x3FDB];
	s0 =	simm.s32 @p2 $0x1  }
0x17: {  	s4 =	simm.s32 $0x1BF5;
	[smem:$0x3FAF] =	sst s0  }
0x18: {  	s0 =	sld [smem:$0x3F92];
	_ =	swait.ge [sflag:s4], $0x0  }
0x19: {  	s7 =	sld [smem:$0x3F93]  }
0x1a: {  	s8 =	sadd.s32 $0xFFFFE003, lr  }
0x1b: {  	s9 =	sadd.s32 $0xFFFFFEF7, lr;
	s5 =	simm.s32 $0xFFFFFFFF;
	p2 =	slt.u32 s8, $0xFFFFF086  }
0x1c: {  	p1 =	slt.u32 s9, $0xF7A;
	s5 =	simm.s32 @!p2 $0x0  }
0x1d: {  	s5 =	simm.s32 @p1 $0x1;
	p0 =	seq.s32 s7, s2  }
0x1e: {  	s7 =	smul.u32 @!p0 $0xF7A, s2;
	p2 =	seq.s32 @!p0 s5, $0x0  }
0x1f: {  	s9 =	smul.u32 $0xF7A, s1;
	s8 =	simm.s32 @!p0 $0x1BF5;
	p2 =	por !p2, p0  }
0x20: {  	[sflag:s8] =	ssyncset.s32 @!p0 $0xFFFFF086;
	s6 =	sadd.s32 @!p0 s3, s7;
	s7 =	simm.s32 @!p0 $0x108  }
0x21: {  	s3 =	sadd.s32 s3, s9;
	s6 =	sadd.s32 @!p0 $0x88, s6;
	s7 =	simm.s32 @p2 $0x1082  }
0x22: {  	[simem:s7], [sflag:s8] =	dma.local @!p0 [hbm:s6], $0xF7A  }
0x23: {  	s9 =	sor.u32 $0xD0000000, s2;
	s6 =	simm.s32 $0x108;
	_ =	swait.ge @!p0 [sflag:s8], $0x0  }
0x24: {  	s3 =	sadd.s32 $0x88, s3;
	s6 =	simm.s32 @!p1 $0x1082;
	[sflag:s4] =	ssyncset.s32 $0xFFFFF086  }
0x25: {  	[simem:s6], [sflag:s4] =	dma.local [hbm:s3], $0xF7A  }
0x26: {  	[smem:$0x3F93] =	sst s1;
	(tag) =	ssettag s2;
	_ =	strace s9  }
0x27: {  	s1 =	sld [smem:$0x3FA3]  }
0x28: {  	s2 =	sld [smem:$0x3FA4]  }
0x29: {  	s4 =	sld [smem:$0x3FA6]  }
0x2a: {  	p0 =	seq.s32 s5, $0x0;
	s5 =	sld [smem:$0x3FA7]  }
0x2b: {  	s6 =	sld [smem:$0x3FA8]  }
0x2c: {  	s7 =	sld [smem:$0x3FA9]  }
0x2d: {  	s3 =	simm.s32 $0x108;
	s8 =	sld [smem:$0x3FAA]  }
0x2e: {  	s3 =	simm.s32 @!p0 $0x1082;
	s9 =	sld [smem:$0x3FAB]  }
0x2f: {  	lr =	sadd.s32 s0, s3;
	s0 =	sld [smem:$0x3FA2]  }
0x30: {  	s3 =	sld [smem:$0x3FA5]  }
0x31: {  	[smem:$0x3FAE] =	sst s10  }
0x32: {  	s10 =	sld [smem:$0x3FAC];
	_ =	sdelay $0x3  }
0x33: {  	p0 =	seq.s32 s10, $0x1;
	s10 =	sld [smem:$0x3FAE];
	_ =	sdelay $0x3  }
0x34: {  	[smem:$0x3FAE] =	sst s10  }
0x35: {  	s10 =	sld [smem:$0x3FAD];
	_ =	sdelay $0x3  }
0x36: {  	p1 =	seq.s32 s10, $0x1;
	s10 =	sld [smem:$0x3FAE];
	_ =	sdelay $0x3  }
0x37: {  	[smem:$0x3FAE] =	sst s10  }
0x38: {  	s10 =	sld [smem:$0x3FAF]  }
0x39: {  	_ = 	snop;
	(pc) =	sbr.ind lr, $3  }
0x3a: {  	_ = 	snop  }
0x3b: {  	_ = 	snop  }
0x3c: {  	p2 =	seq.s32 s10, $0x1;
	s10 =	sld [smem:$0x3FAE]  }
0x3d: {  	_ =	shalt  }
0x3e: {  	_ =	shalt  }
0x3f: {  	_ =	shalt  }
0x40: {  	_ =	shalt  }
0x41: {  	_ =	shalt  }
0x42: {  	_ =	shalt  }
0x43: {  	_ =	shalt  }
0x44: {  	_ =	shalt  }
0x45: {  	_ =	shalt  }
0x46: {  	_ =	shalt  }
0x47: {  	_ =	shalt  }
0x48: {  	_ =	shalt  }
0x49: {  	_ =	shalt  }
0x4a: {  	_ =	shalt  }
0x4b: {  	_ =	shalt  }
0x4c: {  	_ =	shalt  }
0x4d: {  	_ =	shalt  }
0x4e: {  	_ =	shalt  }
0x4f: {  	_ =	shalt  }
0x50: {  	_ =	shalt  }
0x51: {  	_ =	shalt  }
0x52: {  	_ =	shalt  }
0x53: {  	_ =	shalt  }
0x54: {  	_ =	shalt  }
0x55: {  	_ =	shalt  }
0x56: {  	_ =	shalt  }
0x57: {  	_ =	shalt  }
0x58: {  	_ =	shalt  }
0x59: {  	_ =	shalt  }
0x5a: {  	_ =	shalt  }
0x5b: {  	_ =	shalt  }
0x5c: {  	_ =	shalt  }
0x5d: {  	_ =	shalt  }
0x5e: {  	_ =	shalt  }
0x5f: {  	_ =	shalt  }
0x60: {  	_ =	shalt  }
0x61: {  	_ =	shalt  }
0x62: {  	_ =	shalt  }
0x63: {  	_ =	shalt  }
0x64: {  	_ =	shalt  }
0x65: {  	_ =	shalt  }
0x66: {  	_ =	shalt  }
0x67: {  	_ =	shalt  }
0x68: {  	_ =	shalt  }
0x69: {  	_ =	shalt  }
0x6a: {  	_ =	shalt  }
0x6b: {  	_ =	shalt  }
0x6c: {  	_ =	shalt  }
0x6d: {  	_ =	shalt  }
0x6e: {  	_ =	shalt  }
0x6f: {  	_ =	shalt  }
0x70: {  	_ =	shalt  }
0x71: {  	_ =	shalt  }
0x72: {  	_ =	shalt  }
0x73: {  	_ =	shalt  }
0x74: {  	_ =	shalt  }
0x75: {  	_ =	shalt  }
0x76: {  	_ =	shalt  }
0x77: {  	_ =	shalt  }
0x78: {  	_ =	shalt  }
0x79: {  	_ =	shalt  }
0x7a: {  	_ =	shalt  }
0x7b: {  	_ =	shalt  }
0x7c: {  	_ =	shalt  }
0x7d: {  	_ =	shalt  }
0x7e: {  	_ =	shalt  }
0x7f: {  	_ =	shalt  }
0x80: {  	_ =	shalt  }
0x81: {  	_ =	shalt  }
0x82: {  	_ =	shalt  }
0x83: {  	_ =	shalt  }
0x84: {  	_ =	shalt  }
0x85: {  	_ =	shalt  }
0x86: {  	_ =	shalt  }
0x87: {  	_ =	shalt  }
.Lfunc_end0:
.L_simem_size_0:
called_computation_lowered:
.L_overlay_start_0:
0x88: {  	s2 =	sld [smem:$0x3FD9]  }
0x89: {  	s3 =	sld [smem:$0x3FFE];
	_ =	sdelay $0x1  }
0x8a: {  	s1 =	srdreg.scid  }
0x8b: {  	s0 =	sand.u32 $0x1, s1  }
0x8c: {  	s16 =	sshll.u32 s0, $0xA;
	s2 =	sadd.s32 s3, s2  }
0x8d: {  	s2 =	sadd.s32 s2, s16  }
0x8e: {  	[smem:$0x3FBA] =	sst s2  }
0x8f: {  	_ = 	snop  }
0x90: {  	(tm) =	ssettm $0x1  }
0x91: {  	s17 =	sld [smem:$0x3FFB];
	_ =	sdelay $0x3  }
0x92: {  	_ =	strace s17  }
0x93: {  	s2 =	sld [smem:$0x3FFC];
	_ =	sdelay $0x3  }
0x94: {  	_ =	strace s2  }
0x95: {  	s2 =	sld [smem:$0x3FFD];
	_ =	sdelay $0x3  }
0x96: {  	_ =	strace s2  }
0x97: {  	_ =	strace $0x8FFFFFFF  }
0x98: {  	s18 =	sld [smem:$0x3FDB];
	_ =	sdelay $0x1  }
0x99: {  	s19 =	simm.s32 $_scs_section_size  }
0x9a: {  	s4 =	simm.s32 $_size__tile_overlayer_lowered;
	s5 =	simm.s32 $_tile_overlayer_lowered  }
0x9b: {  	s22 =	simm.s32 $0x1BFF;
	s21 =	sshll.u32 s5, $0x1;
	s2 =	sadd.s32 s19, s18  }
0x9c: {  	s6 =	simm.s32 $0x0;
	s20 =	sshll.u32 s4, $0x1;
	s4 =	sadd.s32 s21, s2  }
0x9d: {  	[timem:s6], [sflag:s22] =	dma.local [hbm:s4], s20  }
0x9e: {  	_ =	swait.ge [sflag:s22], s20  }
0x9f: {  	s3 =	ssub.s32 $0x0, s20;
	[sflag:s22] =	ssyncset.done $0x0  }
0xa0: {  	[sflag:s22] =	ssyncadd.s32 s3;
	_ =	sdelay $0x1  }
0xa1: {  	s23 =	simm.s32 $0x1B8B  }
0xa2: {  	_ =	swait.ge [sflag:s23], $0x1  }
0xa3: {  	[sflag:s23] =	ssyncset.done $0x0  }
0xa4: {  	s25 =	simm.s32 $0x1B8E;
	s24 =	sld [smem:$0x3FFE];
	[sflag:s23] =	ssyncadd.s32 $0xFFFFFFFF  }
0xa5: {  	s26 =	simm.s32 $execute0_lowered;
	[smem:$0x3FD2] =	sst s25  }
0xa6: {  	s4 =	sshll.u32 s26, $0x1;
	_ =	strace $0x80000046;
	[dreg:$0x1] =	wrdreg $0xFFFFFFFF  }
0xa7: {  	s28 =	simm.s32 $_size_execute0_lowered;
	s2 =	sadd.s32 s2, s4;
	[dreg:$0x0] =	wrdreg $0x0  }
0xa8: {  	s4 =	sshll.u32 s28, $0x1;
	[dreg:$0x2] =	wrdreg s2  }
0xa9: {  	[dreg:$0x3] =	wrdreg s4  }
0xaa: {  	[dreg:$0x4] =	wrdreg $0xC0  }
0xab: {  	_ =	task [dreg:s6], $0x5FFFF  }
0xac: {  	[dreg:$0x1] =	wrdreg $0xFFFFFFFF  }
0xad: {  	[dreg:$0x0] =	wrdreg $0x60  }
0xae: {  	[dreg:$0x2] =	wrdreg s24  }
0xaf: {  	[dreg:$0x3] =	wrdreg $0x9  }
0xb0: {  	_ =	task.clear_ibuf [dreg:s6], $0x4FFFF;
	_ =	strace $0x90000046  }
0xb1: {  	s29 =	simm.s32 $0x9;
	_ =	strace $0x80000048  }
0xb2: {  	_ =	swait.ge [sflag:s29], $0x1  }
0xb3: {  	[sflag:s29] =	ssyncadd.s32 $0xFFFFFFFF  }
0xb4: {  	_ =	strace $0x90000048  }
0xb5: {  	_ =	sfence  }
0xb6: {  	s30 =	sld [smem:$0x0];
	_ =	sdelay $0x2  }
0xb7: {  	s31 =	sshll.u32 s1, $0xD;
	s1 =	sshrl.u32 s1, $0x2  }
0xb8: {  	s3 =	sand.u32 $0x4000, s31;
	s1 =	sadd.s32 s1, s30  }
0xb9: {  	s0 =	sor.u32 s3, s0;
	s1 =	sshll.u32 s1, $0x11  }
0xba: {  	s0 =	sor.u32 s1, s0  }
0xbb: {  	s0 =	sadd.s32 $0x8F2B, s0  }
0xbc: {  	[sflag:s0] =	ssyncadd.remote.s32 $0x1  }
0xbd: {  	_ =	sfence.sel $0xFFFF  }
0xbe: {  	[dreg:$0x0] =	wrdreg $0xFFFFFFFF;
	(pc) =	sbr.abs _section_cstart, $3  }
0xbf: {  	[dreg:$0x1] =	wrdreg $0xFFFFFFFF  }
0xc0: {  	_ =	task.clear_ibuf [dreg:s6], $0x2FFFF;
	_ =	strace $0x9FFFFFFF  }
0xc1: {  	(tm) =	ssettm $0x7FFFFFFF  }
tec
execute0_lowered:
.L_overlay_start_1:
0x0: {  	(tag) =	ssettag $0x1  }
0x1: {  	s4 =	rddreg [dreg:$0x0]  }
0x2: {  	s0 =	rddreg [dreg:$0x1]  }
0x3: {  	s3 =	srdreg.scid;
	s2 =	simm.s32 $0x0;
	s1 =	stileid.u32  }
0x4: {  	s10 =	simm.s32 $0x6000;
	s11 =	simm.s32 $0xA000;
	s12 =	simm.s32 $0xE000  }
0x5: {  	s13 =	simm.s32 $0x1;
	s14 =	simm.s32 $0x0;
	s5 =	sand.u32 $0x1, s3  }
0x6: {  	[smem:$0x7FF] =	sst s2;
	s29 =	sshll.u32 s1, $0xE;
	s3 =	sadd.s32 $0x2AE00, s4  }
0x7: {  	s8 =	sshll.u32 s1, $0x12;
	s6 =	sshll.u32 s5, $0xD;
	_ =	strace $0x80000047  }
0x8: {  	s7 =	ssub.s32 $0x2, s5;
	s8 =	sadd.s32 s8, s4;
	s30 =	sshll.u32 s5, $0x11  }
0x9: {  	s6 =	sor.u32 s6, s29;
	s9 =	sshrl.u32 s7, $0x1;
	s31 =	sadd.s32 s30, s8  }
0xa: {  	s8 =	simm.s32 $0x80;
	s6 =	sshrl.u32 s6, $0x3;
	s7 =	ssub.s32 s7, s9  }
0xb: {  	s9 =	simm.s32 $0x2000;
	s6 =	sadd.s32 s6, s4;
	s5 =	smax.u32 s7, $0x1  }
0xc: {  	s7 =	simm.s32 $0x2;
	s4 =	sadd.s32 $0x22E00, s6;
	s6 =	sadd.s32 $0xAAE00, s31  }
.LBB2_1:
0xd: {  	[tilespmem:s2], [sflag:$0x2] =	stream.linear.gather [hbm4b:s4+s2], $0x2000, $0x38;
	[tilespmem:$0x12000] =	vst v63  }
0xe: {  	_ =	swait.ge [sflag:s7], $0x2000  }
0xf: {  	[sflag:s7] =	ssyncset.done $0x0  }
0x10: {  	s15 =	simm.s32 $0x0;
	[sflag:s7] =	ssyncadd.s32 $0xFFFFE000  }
0x11: {  	[tilespmem:s9], [sflag:$0x1] =	stream.indirect.gather [hbm4b:s3+s8], $0x80, s15, s8, $0xb8;
	[tilespmem:$0x12000] =	vst v63  }
0x12: {  	s28 =	simm.s32 $0x80  }
0x13: {  	[tilespmem:s10], [sflag:$0x1] =	stream.indirect.gather [hbm4b:s3+s8], $0x80, s28, s8, $0xb8;
	[tilespmem:$0x12000] =	vst v63  }
0x14: {  	s29 =	simm.s32 $0x100  }
0x15: {  	[tilespmem:s11], [sflag:$0x1] =	stream.indirect.gather [hbm4b:s3+s8], $0x80, s29, s8, $0xb8;
	[tilespmem:$0x12000] =	vst v63  }
0x16: {  	s30 =	simm.s32 $0x180  }
0x17: {  	[tilespmem:s12], [sflag:$0x1] =	stream.indirect.gather [hbm4b:s3+s8], $0x80, s30, s8, $0xb8;
	[tilespmem:$0x12000] =	vst v63  }
0x18: {  	_ =	swait.ge [sflag:s13], $0x4000  }
0x19: {  	[sflag:s13] =	ssyncset.done $0x0  }
0x1a: {  	[sflag:s13] =	ssyncadd.s32 $0xFFFFC000  }
0x1b: {  	_ =	swait.ge [sflag:s13], $0x4000  }
0x1c: {  	[sflag:s13] =	ssyncset.done $0x0  }
0x1d: {  	[sflag:s13] =	ssyncadd.s32 $0xFFFFC000  }
0x1e: {  	_ =	swait.ge [sflag:s13], $0x4000  }
0x1f: {  	[sflag:s13] =	ssyncset.done $0x0  }
0x20: {  	[sflag:s13] =	ssyncadd.s32 $0xFFFFC000  }
0x21: {  	_ =	swait.ge [sflag:s13], $0x4000  }
0x22: {  	[sflag:s13] =	ssyncset.done $0x0  }
0x23: {  	s31 =	sadd.s32 $0x0, s6;
	[sflag:s13] =	ssyncadd.s32 $0xFFFFC000  }
0x24: {  	[hbm4b:s31+s2] =	stream.linear.scatter [tilespmem:s9], [sflag:$0x2], $0x10000, $0x38;
	[tilespmem:$0x12000] =	vst v63  }
0x25: {  	s17 =	simm.s32 $0x4000;
	_ =	swait.ge [sflag:s7], $0x10000  }
0x26: {  	s16 =	simm.s32 $0x380;
	s15 =	simm.s32 $0x2000;
	[sflag:s7] =	ssyncset.done $0x0  }
.LBB2_2:
0x27: {  	p0 =	sne.s32 s17, $0x1E000;
	s18 =	sadd.s32 $0xFFFFFE80, s16;
	[sflag:s7] =	ssyncadd.s32 $0xFFFF0000  }
0x28: {  	[tilespmem:s9], [sflag:$0x1] =	stream.indirect.gather [hbm4b:s3+s8], $0x80, s18, s8, $0xb8;
	[tilespmem:$0x12000] =	vst v63  }
0x29: {  	s19 =	smov.u32 s17;
	s17 =	sadd.s32 $0x2000, s17;
	s18 =	sadd.s32 $0xFFFFFF00, s16  }
0x2a: {  	[tilespmem:s10], [sflag:$0x1] =	stream.indirect.gather [hbm4b:s3+s8], $0x80, s18, s8, $0xb8;
	[tilespmem:$0x12000] =	vst v63  }
0x2b: {  	s18 =	sadd.s32 $0xFFFFFF80, s16  }
0x2c: {  	[tilespmem:s11], [sflag:$0x1] =	stream.indirect.gather [hbm4b:s3+s8], $0x80, s18, s8, $0xb8;
	[tilespmem:$0x12000] =	vst v63  }
0x2d: {  	_ = 	snop  }
0x2e: {  	[tilespmem:s12], [sflag:$0x1] =	stream.indirect.gather [hbm4b:s3+s8], $0x80, s16, s8, $0xb8;
	[tilespmem:$0x12000] =	vst v63  }
0x2f: {  	_ =	swait.ge [sflag:s13], $0x4000  }
0x30: {  	[sflag:s13] =	ssyncset.done $0x0  }
0x31: {  	[sflag:s13] =	ssyncadd.s32 $0xFFFFC000  }
0x32: {  	_ =	swait.ge [sflag:s13], $0x4000  }
0x33: {  	[sflag:s13] =	ssyncset.done $0x0  }
0x34: {  	[sflag:s13] =	ssyncadd.s32 $0xFFFFC000  }
0x35: {  	_ =	swait.ge [sflag:s13], $0x4000  }
0x36: {  	[sflag:s13] =	ssyncset.done $0x0  }
0x37: {  	[sflag:s13] =	ssyncadd.s32 $0xFFFFC000  }
0x38: {  	_ =	swait.ge [sflag:s13], $0x4000  }
.Ltmp0:
0x39: {  	[sflag:s13] =	ssyncset.done $0x0;
	(pc) =	sbr.rel @p0 .LBB2_2-.Ltmp0, $4  }
0x3a: {  	s18 =	sadd.s32 s15, s6;
	s15 =	smov.u32 s19;
	[sflag:s13] =	ssyncadd.s32 $0xFFFFC000  }
0x3b: {  	[hbm4b:s18+s2] =	stream.linear.scatter [tilespmem:s9], [sflag:$0x2], $0x10000, $0x38;
	[tilespmem:$0x12000] =	vst v63  }
0x3c: {  	_ =	swait.ge [sflag:s7], $0x10000  }
0x3d: {  	s16 =	sadd.s32 $0x200, s16;
	[sflag:s7] =	ssyncset.done $0x0  }
0x3e: {  	s17 =	sadd.s32 $0xFFFFFE80, s16;
	[sflag:s7] =	ssyncadd.s32 $0xFFFF0000  }
0x3f: {  	[tilespmem:s9], [sflag:$0x1] =	stream.indirect.gather [hbm4b:s3+s8], $0x80, s17, s8, $0xb8;
	[tilespmem:$0x12000] =	vst v63  }
0x40: {  	s30 =	sadd.s32 $0xFFFFFF00, s16  }
0x41: {  	[tilespmem:s10], [sflag:$0x1] =	stream.indirect.gather [hbm4b:s3+s8], $0x80, s30, s8, $0xb8;
	[tilespmem:$0x12000] =	vst v63  }
0x42: {  	s31 =	sadd.s32 $0xFFFFFF80, s16  }
0x43: {  	[tilespmem:s11], [sflag:$0x1] =	stream.indirect.gather [hbm4b:s3+s8], $0x80, s31, s8, $0xb8;
	[tilespmem:$0x12000] =	vst v63  }
0x44: {  	_ = 	snop  }
0x45: {  	[tilespmem:s12], [sflag:$0x1] =	stream.indirect.gather [hbm4b:s3+s8], $0x80, s16, s8, $0xb8;
	[tilespmem:$0x12000] =	vst v63  }
0x46: {  	_ =	swait.ge [sflag:s13], $0x4000  }
0x47: {  	[sflag:s13] =	ssyncset.done $0x0  }
0x48: {  	[sflag:s13] =	ssyncadd.s32 $0xFFFFC000  }
0x49: {  	_ =	swait.ge [sflag:s13], $0x4000  }
0x4a: {  	[sflag:s13] =	ssyncset.done $0x0  }
0x4b: {  	[sflag:s13] =	ssyncadd.s32 $0xFFFFC000  }
0x4c: {  	_ =	swait.ge [sflag:s13], $0x4000  }
0x4d: {  	[sflag:s13] =	ssyncset.done $0x0  }
0x4e: {  	[sflag:s13] =	ssyncadd.s32 $0xFFFFC000  }
0x4f: {  	s14 =	sadd.s32 $0x1, s14;
	_ =	swait.ge [sflag:s13], $0x4000  }
0x50: {  	p0 =	sne.s32 s14, s5;
	[sflag:s13] =	ssyncset.done $0x0  }
.Ltmp1:
0x51: {  	s15 =	sadd.s32 s15, s6;
	[sflag:s13] =	ssyncadd.s32 $0xFFFFC000;
	(pc) =	sbr.rel @p0 .LBB2_1-.Ltmp1, $4  }
0x52: {  	[hbm4b:s15+s2] =	stream.linear.scatter [tilespmem:s9], [sflag:$0x2], $0x10000, $0x38;
	[tilespmem:$0x12000] =	vst v63  }
0x53: {  	_ =	swait.ge [sflag:s7], $0x10000  }
0x54: {  	[sflag:s7] =	ssyncset.done $0x0  }
0x55: {  	[sflag:s7] =	ssyncadd.s32 $0xFFFF0000  }
0x56: {  	_ =	sfence.sel $0x180000  }
0x57: {  	[bflag:$0x0] =	sbarrier.arrive $0xFFFF  }
0x58: {  	p0 =	sne.s32 s1, $0x0;
	_ =	strace $0x90000047  }
0x59: {  	s0 =	sadd.s32 @!p0 $0x100000, s0;
	[bflag:$0x2] =	sbarrier.arrive $0xFFFF  }
0x5a: {  	[sflag:s0] =	ssyncadd.tile.s32 @!p0 $0x1;
	_ =	shalt  }
.Lfunc_end2:
_tile_overlayer_lowered:
.L_overlay_start_2:
0x5b: {  	(tag) =	ssettag $0x2  }
0x5c: {  	s0 =	rddreg [dreg:$0x0];
	s2 =	stileid.u32  }
0x5d: {  	s1 =	rddreg [dreg:$0x1];
	p0 =	sne.s32 s2, $0x0  }
0x5e: {  	s3 =	rddreg [dreg:$0x2];
	[bflag:$0x3] =	sbarrier.arrive $0xFFFF;
	s2 =	simm.s32 @!p0 $0x1C02  }
0x5f: {  	[timem:s3], [sflag:s2] =	dma.local @!p0 [hbm:s0], s1  }
0x60: {  	s0 =	simm.s32 @!p0 $0x2  }
0x61: {  	_ =	swait.ge @!p0 [sflag:s0], s1  }
0x62: {  	s1 =	ssub.s32 @!p0 $0x0, s1;
	[sflag:s0] =	ssyncset.done @!p0 $0x0  }
0x63: {  	[sflag:s0] =	ssyncadd.s32 @!p0 s1  }
0x64: {  	[bflag:$0x3] =	sbarrier.arrive $0xFFFF  }
0x65: {  	_ =	shalt  }

</sc_bundles>
